<compile_context>
chip_gen: v7x
topology: tpu7x:2x2x1
jax: 0.10.2.dev20260603
libtpu: 0.0.44.dev20260713+nightly
codegen_flags: <defaults>
</compile_context>

<pallas_src>
import functools

import jax
import jax.numpy as jnp
from jax import lax
from jax.experimental import pallas as pl
from jax.experimental.pallas import tpu as pltpu
from jax.experimental.pallas import tpu_sc as plsc

N_NODES = 10000
D_FEAT = 256
N_EDGES = 160000

NC = 2
NS = 16
DH = D_FEAT // NC
CHUNK = 128
NCHUNK = 79
EPAD = NS * NCHUNK * CHUNK
ROWS_PAD = 10240
STRIPE = ROWS_PAD // NS
DUMMY_ROW = N_NODES

_sc_mesh = plsc.VectorSubcoreMesh(core_axis_name="c", subcore_axis_name="s")


@functools.partial(
    pl.kernel,
    out_type=jax.ShapeDtypeStruct((NC, ROWS_PAD, DH), jnp.float32),
    mesh=_sc_mesh,
    scratch_types=[
        pltpu.VMEM((NCHUNK, CHUNK), jnp.int32),
        pltpu.VMEM((NCHUNK, CHUNK), jnp.int32),
        pltpu.VMEM((CHUNK, DH), jnp.float32),
        pltpu.VMEM_SHARED((ROWS_PAD, DH), jnp.float32),
        pltpu.SemaphoreType.DMA,
    ],
)
def _sc_agg(x_hbm, src_hbm, dst_hbm, out_hbm,
            src_v, dst_v, rows_v, agg_sh, sem):
    c = lax.axis_index("c")
    s = lax.axis_index("s")

    def _zrow(r, carry):
        for q in range(DH // 16):
            rows_v[r, pl.ds(q * 16, 16)] = jnp.zeros((16,), jnp.float32)
        return carry
    lax.fori_loop(0, CHUNK, _zrow, 0)

    def _zstripe(k, carry):
        pltpu.sync_copy(rows_v,
                        agg_sh.at[pl.ds(s * STRIPE + k * CHUNK, CHUNK)])
        return carry
    lax.fori_loop(0, STRIPE // CHUNK, _zstripe, 0)
    plsc.subcore_barrier()

    pltpu.sync_copy(src_hbm.at[s], src_v)
    pltpu.sync_copy(dst_hbm.at[s], dst_v)

    def _step(j, carry):
        pltpu.async_copy(
            x_hbm.at[:, pl.ds(c * DH, DH)].at[src_v.at[j]],
            rows_v, sem).wait()
        pltpu.sync_copy(rows_v, agg_sh.at[dst_v.at[j]], add=True)
        return carry
    lax.fori_loop(0, NCHUNK, _step, 0)
    plsc.subcore_barrier()

    pltpu.sync_copy(agg_sh.at[pl.ds(s * STRIPE, STRIPE)],
                    out_hbm.at[c, pl.ds(s * STRIPE, STRIPE)])


RB = 5120
NBLK = ROWS_PAD // RB


def _tc_tail(a_ref, w1_ref, b1_ref, w2_ref, b2_ref, out_ref, acc_ref):
    i = pl.program_id(0)
    a = a_ref[...]
    w = w1_ref[...]
    z = (jnp.dot(a[0], w[0], preferred_element_type=jnp.float32)
         + jnp.dot(a[1], w[1], preferred_element_type=jnp.float32)
         + b1_ref[...])
    rows = i * RB + lax.broadcasted_iota(jnp.int32, (RB, 1), 0)
    h = jnp.where(rows < N_NODES, jnp.maximum(z, 0.0), 0.0)
    part = jnp.sum(h, axis=0, keepdims=True)

    @pl.when(i == 0)
    def _():
        acc_ref[...] = part

    @pl.when(i > 0)
    def _():
        acc_ref[...] = acc_ref[...] + part

    @pl.when(i == NBLK - 1)
    def _():
        out_ref[...] = (jnp.sum(acc_ref[...] * w2_ref[...], axis=1,
                                keepdims=True) + b2_ref[...])


_tc_call = pl.pallas_call(
    _tc_tail,
    grid=(NBLK,),
    in_specs=[
        pl.BlockSpec((NC, RB, DH), lambda i: (0, i, 0)),
        pl.BlockSpec((NC, DH, D_FEAT), lambda i: (0, 0, 0)),
        pl.BlockSpec((1, D_FEAT), lambda i: (0, 0)),
        pl.BlockSpec((1, D_FEAT), lambda i: (0, 0)),
        pl.BlockSpec((1, 1), lambda i: (0, 0)),
    ],
    out_specs=pl.BlockSpec((1, 1), lambda i: (0, 0)),
    out_shape=jax.ShapeDtypeStruct((1, 1), jnp.float32),
    scratch_shapes=[pltpu.VMEM((1, D_FEAT), jnp.float32)],
)


def kernel(x, edge_index, W1, b1, W2, b2):
    src = edge_index[0].astype(jnp.int32)
    dst = edge_index[1].astype(jnp.int32)
    pad = EPAD - N_EDGES
    src_p = jnp.concatenate([src, jnp.zeros((pad,), jnp.int32)])
    dummy = DUMMY_ROW + (jnp.arange(pad, dtype=jnp.int32)
                         % (ROWS_PAD - N_NODES))
    dst_p = jnp.concatenate([dst, dummy])
    src_r = src_p.reshape(NS, NCHUNK, CHUNK)
    dst_r = dst_p.reshape(NS, NCHUNK, CHUNK)
    agg2 = _sc_agg(x, src_r, dst_r)

    w1r = W1.reshape(NC, DH, D_FEAT)
    b1r = b1.reshape(1, D_FEAT)
    w2r = W2.reshape(1, D_FEAT)
    b2r = b2.reshape(1, 1)
    return _tc_call(agg2, w1r, b1r, w2r, b2r)

# --- scband reference (transcript-rebuilt; emitter-appended) ---
"""Pipeline reference for scband-net1-1606317769110 (READ-ONLY COPY).

The authoritative reference and input builder live on the scoring server;
editing this copy changes nothing except your own understanding.
"""

import jax, jax.numpy as jnp
import numpy as np

N_NODES = 10000
D_FEAT = 256
D_HID = 256
N_EDGES = 160000

def setup_inputs(seed: int = 0) -> dict:
    key = jax.random.key(seed)
    k1, k2, k3, k4, k5 = jax.random.split(key, 5)
    x = jax.random.normal(k1, (N_NODES, D_FEAT), dtype=jnp.float32)
    edge_index = jax.random.randint(k2, (2, N_EDGES), 0, N_NODES, dtype=jnp.int64)
    # GCN conv weights (conv1: Dense-style kernel + bias)
    W1 = jax.random.normal(k3, (D_FEAT, D_HID), dtype=jnp.float32) * (1.0 / np.sqrt(D_FEAT))
    b1 = jnp.zeros((D_HID,), dtype=jnp.float32)
    # fc2: Dense(1)
    W2 = jax.random.normal(k4, (D_HID, 1), dtype=jnp.float32) * (1.0 / np.sqrt(D_HID))
    b2 = jnp.zeros((1,), dtype=jnp.float32)
    return {"x": x, "edge_index": edge_index, "W1": W1, "b1": b1, "W2": W2, "b2": b2}

def reference(x, edge_index, W1, b1, W2, b2):
    # conv1: graph convolution (A @ X) @ W1 + b1 with relu activation,
    # implemented as gather over source nodes + scatter-add into destination nodes.
    src = edge_index[0]
    dst = edge_index[1]
    messages = jnp.take(x, src, axis=0)              # gather [E, d_feat]
    agg = jax.ops.segment_sum(messages, dst, num_segments=x.shape[0])  # scatter-add [N, d_feat]
    h = jax.nn.relu(agg @ W1 + b1)                   # [N, 256]
    # GlobalSumPool: sum over node axis (single graph mode)
    pooled = jnp.sum(h, axis=0, keepdims=True)       # [1, 256]
    # fc2: Dense(1)
    out = pooled @ W2 + b2                           # [1, 1]
    return out

if __name__ == "__main__":
    import jax
    _d = setup_inputs()
    print(jax.jit(kernel)(*tuple(_d.values())))

</pallas_src>

<mosaic_0001>
#map = affine_map<(d0, d1) -> (0, 0)>
#map1 = affine_map<(d0, d1) -> (0, 0, 0)>
module attributes {stable_mosaic.version = 14 : i64} {
  func.func @_sc_agg(%arg0: i32, %arg1: i32, %arg2: memref<10000x256xf32, #tpu.memory_space<hbm>>, %arg3: memref<16x79x128xi32, #tpu.memory_space<hbm>>, %arg4: memref<16x79x128xi32, #tpu.memory_space<hbm>>, %arg5: memref<2x10240x128xf32, #tpu.memory_space<hbm>>, %arg6: memref<79x128xi32, #tpu.memory_space<vmem>>, %arg7: memref<79x128xi32, #tpu.memory_space<vmem>>, %arg8: memref<128x128xf32, #tpu.memory_space<vmem>>, %arg9: memref<10240x128xf32, #tpu.memory_space<vmem_shared>>, %arg10: memref<!tpu.dma_semaphore, #tpu.memory_space<semaphore_mem>>) attributes {dimension_semantics = [#tpu.dimension_semantics<core_parallel>, #tpu.dimension_semantics<subcore_parallel>], iteration_bounds = array<i64: 2, 16>, scalar_prefetch = 0 : i64, scratch_operands = 5 : i64, tpu.core_type = #tpu.core_type<sc_vector_subcore>, window_params = [{transform_indices = #map}, {transform_indices = #map1}, {transform_indices = #map1}, {transform_indices = #map1}]} {
    %scan3A = arith.constant 0 : i32
    %scan3A_0 = arith.constant 0 : i32
    %scan3A_1 = arith.constant 128 : i32
    %scan3A_2 = arith.addi %scan3A_0, %scan3A_1 : i32
    %scan3A_3 = arith.constant 1 : i32
    scf.for %scan3A_21 = %scan3A_0 to %scan3A_2 step %scan3A_3  : i32 {
      %broadcast_in_dim3A = arith.constant 0.000000e+00 : f32
      %broadcast_in_dim3A_22 = vector.broadcast %broadcast_in_dim3A : f32 to vector<16xf32>
      %swap3A = arith.index_cast %scan3A_21 : i32 to index
      %swap3A_23 = arith.constant 0 : index
      %swap3A_24 = tpu.vector_load %arg8[%swap3A, %swap3A_23] {strides = array<i32>} : memref<128x128xf32, #tpu.memory_space<vmem>>, vector<1x16xf32>,
      %swap3A_25 = vector.shape_cast %swap3A_24 : vector<1x16xf32> to vector<16xf32>
      %swap3A_26 = vector.shape_cast %broadcast_in_dim3A_22 : vector<16xf32> to vector<1x16xf32>
      tpu.vector_store %arg8[%swap3A, %swap3A_23], %swap3A_26 {strides = array<i32>} : memref<128x128xf32, #tpu.memory_space<vmem>>, vector<1x16xf32>,
      %broadcast_in_dim3A_27 = arith.constant 0.000000e+00 : f32
      %broadcast_in_dim3A_28 = vector.broadcast %broadcast_in_dim3A_27 : f32 to vector<16xf32>
      %swap3A_29 = arith.index_cast %scan3A_21 : i32 to index
      %swap3A_30 = arith.constant 16 : index
      %swap3A_31 = tpu.vector_load %arg8[%swap3A_29, %swap3A_30] {strides = array<i32>} : memref<128x128xf32, #tpu.memory_space<vmem>>, vector<1x16xf32>,
      %swap3A_32 = vector.shape_cast %swap3A_31 : vector<1x16xf32> to vector<16xf32>
      %swap3A_33 = vector.shape_cast %broadcast_in_dim3A_28 : vector<16xf32> to vector<1x16xf32>
      tpu.vector_store %arg8[%swap3A_29, %swap3A_30], %swap3A_33 {strides = array<i32>} : memref<128x128xf32, #tpu.memory_space<vmem>>, vector<1x16xf32>,
      %broadcast_in_dim3A_34 = arith.constant 0.000000e+00 : f32
      %broadcast_in_dim3A_35 = vector.broadcast %broadcast_in_dim3A_34 : f32 to vector<16xf32>
      %swap3A_36 = arith.index_cast %scan3A_21 : i32 to index
      %swap3A_37 = arith.constant 32 : index
      %swap3A_38 = tpu.vector_load %arg8[%swap3A_36, %swap3A_37] {strides = array<i32>} : memref<128x128xf32, #tpu.memory_space<vmem>>, vector<1x16xf32>,
      %swap3A_39 = vector.shape_cast %swap3A_38 : vector<1x16xf32> to vector<16xf32>
      %swap3A_40 = vector.shape_cast %broadcast_in_dim3A_35 : vector<16xf32> to vector<1x16xf32>
      tpu.vector_store %arg8[%swap3A_36, %swap3A_37], %swap3A_40 {strides = array<i32>} : memref<128x128xf32, #tpu.memory_space<vmem>>, vector<1x16xf32>,
      %broadcast_in_dim3A_41 = arith.constant 0.000000e+00 : f32
      %broadcast_in_dim3A_42 = vector.broadcast %broadcast_in_dim3A_41 : f32 to vector<16xf32>
      %swap3A_43 = arith.index_cast %scan3A_21 : i32 to index
      %swap3A_44 = arith.constant 48 : index
      %swap3A_45 = tpu.vector_load %arg8[%swap3A_43, %swap3A_44] {strides = array<i32>} : memref<128x128xf32, #tpu.memory_space<vmem>>, vector<1x16xf32>,
      %swap3A_46 = vector.shape_cast %swap3A_45 : vector<1x16xf32> to vector<16xf32>
      %swap3A_47 = vector.shape_cast %broadcast_in_dim3A_42 : vector<16xf32> to vector<1x16xf32>
      tpu.vector_store %arg8[%swap3A_43, %swap3A_44], %swap3A_47 {strides = array<i32>} : memref<128x128xf32, #tpu.memory_space<vmem>>, vector<1x16xf32>,
      %broadcast_in_dim3A_48 = arith.constant 0.000000e+00 : f32
      %broadcast_in_dim3A_49 = vector.broadcast %broadcast_in_dim3A_48 : f32 to vector<16xf32>
      %swap3A_50 = arith.index_cast %scan3A_21 : i32 to index
      %swap3A_51 = arith.constant 64 : index
      %swap3A_52 = tpu.vector_load %arg8[%swap3A_50, %swap3A_51] {strides = array<i32>} : memref<128x128xf32, #tpu.memory_space<vmem>>, vector<1x16xf32>,
      %swap3A_53 = vector.shape_cast %swap3A_52 : vector<1x16xf32> to vector<16xf32>
      %swap3A_54 = vector.shape_cast %broadcast_in_dim3A_49 : vector<16xf32> to vector<1x16xf32>
      tpu.vector_store %arg8[%swap3A_50, %swap3A_51], %swap3A_54 {strides = array<i32>} : memref<128x128xf32, #tpu.memory_space<vmem>>, vector<1x16xf32>,
      %broadcast_in_dim3A_55 = arith.constant 0.000000e+00 : f32
      %broadcast_in_dim3A_56 = vector.broadcast %broadcast_in_dim3A_55 : f32 to vector<16xf32>
      %swap3A_57 = arith.index_cast %scan3A_21 : i32 to index
      %swap3A_58 = arith.constant 80 : index
      %swap3A_59 = tpu.vector_load %arg8[%swap3A_57, %swap3A_58] {strides = array<i32>} : memref<128x128xf32, #tpu.memory_space<vmem>>, vector<1x16xf32>,
      %swap3A_60 = vector.shape_cast %swap3A_59 : vector<1x16xf32> to vector<16xf32>
      %swap3A_61 = vector.shape_cast %broadcast_in_dim3A_56 : vector<16xf32> to vector<1x16xf32>
      tpu.vector_store %arg8[%swap3A_57, %swap3A_58], %swap3A_61 {strides = array<i32>} : memref<128x128xf32, #tpu.memory_space<vmem>>, vector<1x16xf32>,
      %broadcast_in_dim3A_62 = arith.constant 0.000000e+00 : f32
      %broadcast_in_dim3A_63 = vector.broadcast %broadcast_in_dim3A_62 : f32 to vector<16xf32>
      %swap3A_64 = arith.index_cast %scan3A_21 : i32 to index
      %swap3A_65 = arith.constant 96 : index
      %swap3A_66 = tpu.vector_load %arg8[%swap3A_64, %swap3A_65] {strides = array<i32>} : memref<128x128xf32, #tpu.memory_space<vmem>>, vector<1x16xf32>,
      %swap3A_67 = vector.shape_cast %swap3A_66 : vector<1x16xf32> to vector<16xf32>
      %swap3A_68 = vector.shape_cast %broadcast_in_dim3A_63 : vector<16xf32> to vector<1x16xf32>
      tpu.vector_store %arg8[%swap3A_64, %swap3A_65], %swap3A_68 {strides = array<i32>} : memref<128x128xf32, #tpu.memory_space<vmem>>, vector<1x16xf32>,
      %broadcast_in_dim3A_69 = arith.constant 0.000000e+00 : f32
      %broadcast_in_dim3A_70 = vector.broadcast %broadcast_in_dim3A_69 : f32 to vector<16xf32>
      %swap3A_71 = arith.index_cast %scan3A_21 : i32 to index
      %swap3A_72 = arith.constant 112 : index
      %swap3A_73 = tpu.vector_load %arg8[%swap3A_71, %swap3A_72] {strides = array<i32>} : memref<128x128xf32, #tpu.memory_space<vmem>>, vector<1x16xf32>,
      %swap3A_74 = vector.shape_cast %swap3A_73 : vector<1x16xf32> to vector<16xf32>
      %swap3A_75 = vector.shape_cast %broadcast_in_dim3A_70 : vector<16xf32> to vector<1x16xf32>
      tpu.vector_store %arg8[%swap3A_71, %swap3A_72], %swap3A_75 {strides = array<i32>} : memref<128x128xf32, #tpu.memory_space<vmem>>, vector<1x16xf32>,
    }
    %scan3A_4 = arith.constant 128 : i32
    %scan3A_5 = arith.constant 0 : i32
    %scan3A_6 = arith.constant 0 : i32
    %scan3A_7 = arith.constant 5 : i32
    %scan3A_8 = arith.addi %scan3A_6, %scan3A_7 : i32
    %scan3A_9 = arith.constant 1 : i32
    scf.for %scan3A_21 = %scan3A_6 to %scan3A_8 step %scan3A_9  : i32 {
      %mul3A_22 = arith.constant 640 : i32
      %mul3A_23 = arith.muli %arg1, %mul3A_22 : i32
      %mul3A_24 = arith.constant 128 : i32
      %mul3A_25 = arith.muli %scan3A_21, %mul3A_24 : i32
      %add3A = arith.addi %mul3A_23, %mul3A_25 : i32
      "tpu.region"() ({
        %run_scoped3A = tpu.sem_alloc : memref<!tpu.dma_semaphore, #tpu.memory_space<semaphore_mem>>
        %dma_start3A = arith.constant 0 : i32
        %dma_start3A_26 = tpu.memref_slice %arg9[%add3A, %dma_start3A] : memref<10240x128xf32, #tpu.memory_space<vmem_shared>> -> memref<128x128xf32, #tpu.memory_space<vmem_shared>>
        %dma_start3A_27 = arith.constant 0 : i32
        %dma_start3A_28 = tpu.memref_slice %arg9[%add3A, %dma_start3A_27] : memref<10240x128xf32, #tpu.memory_space<vmem_shared>> -> memref<128x128xf32, #tpu.memory_space<vmem_shared>>
        tpu.enqueue_dma source(%arg8 : memref<128x128xf32, #tpu.memory_space<vmem>>) target(%dma_start3A_28 : memref<128x128xf32, #tpu.memory_space<vmem_shared>>) target_semaphore(%run_scoped3A : memref<!tpu.dma_semaphore, #tpu.memory_space<semaphore_mem>>)
        %dma_wait3A = arith.constant 0 : i32
        %dma_wait3A_29 = tpu.memref_slice %arg9[%add3A, %dma_wait3A] : memref<10240x128xf32, #tpu.memory_space<vmem_shared>> -> memref<128x128xf32, #tpu.memory_space<vmem_shared>>
        %dma_wait3A_30 = arith.constant 0 : i32
        %dma_wait3A_31 = tpu.memref_slice %arg9[%add3A, %dma_wait3A_30] : memref<10240x128xf32, #tpu.memory_space<vmem_shared>> -> memref<128x128xf32, #tpu.memory_space<vmem_shared>>
        tpu.wait_dma2 semaphore(%run_scoped3A : memref<!tpu.dma_semaphore, #tpu.memory_space<semaphore_mem>>) src(%arg8 : memref<128x128xf32, #tpu.memory_space<vmem>>) dst(%dma_wait3A_31 : memref<128x128xf32, #tpu.memory_space<vmem_shared>>)
        tpu.yield
      }) : () -> ()
    }
    %scan3A_10 = arith.constant 5 : i32
    %barrier3A = arith.constant 0 : index
    tpu.barrier barrier_id(%barrier3A)
    "tpu.region"() ({
      %run_scoped3A = tpu.sem_alloc : memref<!tpu.dma_semaphore, #tpu.memory_space<semaphore_mem>>
      %dma_start3A = arith.constant 0 : i32
      %dma_start3A_21 = arith.constant 0 : i32
      %dma_start3A_22 = tpu.memref_slice %arg3[%arg1, %dma_start3A, %dma_start3A_21] : memref<16x79x128xi32, #tpu.memory_space<hbm>> -> memref<1x79x128xi32, #tpu.memory_space<hbm>>
      %dma_start3A_23 = tpu.memref_squeeze %dma_start3A_22 : memref<1x79x128xi32, #tpu.memory_space<hbm>> -> memref<79x128xi32, #tpu.memory_space<hbm>>
      %dma_start3A_24 = arith.constant 0 : i32
      %dma_start3A_25 = arith.constant 0 : i32
      %dma_start3A_26 = tpu.memref_slice %arg3[%arg1, %dma_start3A_24, %dma_start3A_25] : memref<16x79x128xi32, #tpu.memory_space<hbm>> -> memref<1x79x128xi32, #tpu.memory_space<hbm>>
      %dma_start3A_27 = tpu.memref_squeeze %dma_start3A_26 : memref<1x79x128xi32, #tpu.memory_space<hbm>> -> memref<79x128xi32, #tpu.memory_space<hbm>>
      tpu.enqueue_dma source(%dma_start3A_27 : memref<79x128xi32, #tpu.memory_space<hbm>>) target(%arg6 : memref<79x128xi32, #tpu.memory_space<vmem>>) target_semaphore(%run_scoped3A : memref<!tpu.dma_semaphore, #tpu.memory_space<semaphore_mem>>)
      %dma_wait3A = arith.constant 0 : i32
      %dma_wait3A_28 = arith.constant 0 : i32
      %dma_wait3A_29 = tpu.memref_slice %arg3[%arg1, %dma_wait3A, %dma_wait3A_28] : memref<16x79x128xi32, #tpu.memory_space<hbm>> -> memref<1x79x128xi32, #tpu.memory_space<hbm>>
      %dma_wait3A_30 = tpu.memref_squeeze %dma_wait3A_29 : memref<1x79x128xi32, #tpu.memory_space<hbm>> -> memref<79x128xi32, #tpu.memory_space<hbm>>
      %dma_wait3A_31 = arith.constant 0 : i32
      %dma_wait3A_32 = arith.constant 0 : i32
      %dma_wait3A_33 = tpu.memref_slice %arg3[%arg1, %dma_wait3A_31, %dma_wait3A_32] : memref<16x79x128xi32, #tpu.memory_space<hbm>> -> memref<1x79x128xi32, #tpu.memory_space<hbm>>
      %dma_wait3A_34 = tpu.memref_squeeze %dma_wait3A_33 : memref<1x79x128xi32, #tpu.memory_space<hbm>> -> memref<79x128xi32, #tpu.memory_space<hbm>>
      tpu.wait_dma2 semaphore(%run_scoped3A : memref<!tpu.dma_semaphore, #tpu.memory_space<semaphore_mem>>) src(%dma_wait3A_34 : memref<79x128xi32, #tpu.memory_space<hbm>>) dst(%arg6 : memref<79x128xi32, #tpu.memory_space<vmem>>)
      tpu.yield
    }) : () -> ()
    "tpu.region"() ({
      %run_scoped3A = tpu.sem_alloc : memref<!tpu.dma_semaphore, #tpu.memory_space<semaphore_mem>>
      %dma_start3A = arith.constant 0 : i32
      %dma_start3A_21 = arith.constant 0 : i32
      %dma_start3A_22 = tpu.memref_slice %arg4[%arg1, %dma_start3A, %dma_start3A_21] : memref<16x79x128xi32, #tpu.memory_space<hbm>> -> memref<1x79x128xi32, #tpu.memory_space<hbm>>
      %dma_start3A_23 = tpu.memref_squeeze %dma_start3A_22 : memref<1x79x128xi32, #tpu.memory_space<hbm>> -> memref<79x128xi32, #tpu.memory_space<hbm>>
      %dma_start3A_24 = arith.constant 0 : i32
      %dma_start3A_25 = arith.constant 0 : i32
      %dma_start3A_26 = tpu.memref_slice %arg4[%arg1, %dma_start3A_24, %dma_start3A_25] : memref<16x79x128xi32, #tpu.memory_space<hbm>> -> memref<1x79x128xi32, #tpu.memory_space<hbm>>
      %dma_start3A_27 = tpu.memref_squeeze %dma_start3A_26 : memref<1x79x128xi32, #tpu.memory_space<hbm>> -> memref<79x128xi32, #tpu.memory_space<hbm>>
      tpu.enqueue_dma source(%dma_start3A_27 : memref<79x128xi32, #tpu.memory_space<hbm>>) target(%arg7 : memref<79x128xi32, #tpu.memory_space<vmem>>) target_semaphore(%run_scoped3A : memref<!tpu.dma_semaphore, #tpu.memory_space<semaphore_mem>>)
      %dma_wait3A = arith.constant 0 : i32
      %dma_wait3A_28 = arith.constant 0 : i32
      %dma_wait3A_29 = tpu.memref_slice %arg4[%arg1, %dma_wait3A, %dma_wait3A_28] : memref<16x79x128xi32, #tpu.memory_space<hbm>> -> memref<1x79x128xi32, #tpu.memory_space<hbm>>
      %dma_wait3A_30 = tpu.memref_squeeze %dma_wait3A_29 : memref<1x79x128xi32, #tpu.memory_space<hbm>> -> memref<79x128xi32, #tpu.memory_space<hbm>>
      %dma_wait3A_31 = arith.constant 0 : i32
      %dma_wait3A_32 = arith.constant 0 : i32
      %dma_wait3A_33 = tpu.memref_slice %arg4[%arg1, %dma_wait3A_31, %dma_wait3A_32] : memref<16x79x128xi32, #tpu.memory_space<hbm>> -> memref<1x79x128xi32, #tpu.memory_space<hbm>>
      %dma_wait3A_34 = tpu.memref_squeeze %dma_wait3A_33 : memref<1x79x128xi32, #tpu.memory_space<hbm>> -> memref<79x128xi32, #tpu.memory_space<hbm>>
      tpu.wait_dma2 semaphore(%run_scoped3A : memref<!tpu.dma_semaphore, #tpu.memory_space<semaphore_mem>>) src(%dma_wait3A_34 : memref<79x128xi32, #tpu.memory_space<hbm>>) dst(%arg7 : memref<79x128xi32, #tpu.memory_space<vmem>>)
      tpu.yield
    }) : () -> ()
    %scan3A_11 = arith.constant 0 : i32
    %scan3A_12 = arith.constant 0 : i32
    %scan3A_13 = arith.constant 79 : i32
    %scan3A_14 = arith.addi %scan3A_12, %scan3A_13 : i32
    %scan3A_15 = arith.constant 1 : i32
    scf.for %scan3A_21 = %scan3A_12 to %scan3A_14 step %scan3A_15  : i32 {
      %mul3A_22 = arith.constant 128 : i32
      %mul3A_23 = arith.muli %arg0, %mul3A_22 : i32
      %dma_start3A = arith.constant 0 : i32
      %dma_start3A_24 = tpu.memref_slice %arg6[%scan3A_21, %dma_start3A] : memref<79x128xi32, #tpu.memory_space<vmem>> -> memref<1x128xi32, #tpu.memory_space<vmem>>
      %dma_start3A_25 = tpu.memref_squeeze %dma_start3A_24 : memref<1x128xi32, #tpu.memory_space<vmem>> -> memref<128xi32, #tpu.memory_space<vmem>>
      %dma_start3A_26 = arith.constant 0 : i32
      %dma_start3A_27 = tpu.memref_slice %arg2[%dma_start3A_26, %mul3A_23] : memref<10000x256xf32, #tpu.memory_space<hbm>> -> memref<10000x128xf32, #tpu.memory_space<hbm>>
      %dma_start3A_28 = arith.constant 0 : i32
      %dma_start3A_29 = arith.constant 0 : i32
      %dma_start3A_30 = tpu.memref_slice %dma_start3A_27[%dma_start3A_28, %dma_start3A_29] : memref<10000x128xf32, #tpu.memory_space<hbm>> -> memref<10000x128xf32, #tpu.memory_space<hbm>>
      tpu.enqueue_indirect_dma source(%dma_start3A_30 : memref<10000x128xf32, #tpu.memory_space<hbm>>) target(%arg8 : memref<128x128xf32, #tpu.memory_space<vmem>>) offsets(%dma_start3A_25 : memref<128xi32, #tpu.memory_space<vmem>>) semaphore(%arg10 : memref<!tpu.dma_semaphore, #tpu.memory_space<semaphore_mem>>)
      %dma_wait3A = arith.constant 0 : i32
      %dma_wait3A_31 = tpu.memref_slice %arg6[%scan3A_21, %dma_wait3A] : memref<79x128xi32, #tpu.memory_space<vmem>> -> memref<1x128xi32, #tpu.memory_space<vmem>>
      %dma_wait3A_32 = tpu.memref_squeeze %dma_wait3A_31 : memref<1x128xi32, #tpu.memory_space<vmem>> -> memref<128xi32, #tpu.memory_space<vmem>>
      %dma_wait3A_33 = arith.constant 0 : i32
      %dma_wait3A_34 = tpu.memref_slice %arg2[%dma_wait3A_33, %mul3A_23] : memref<10000x256xf32, #tpu.memory_space<hbm>> -> memref<10000x128xf32, #tpu.memory_space<hbm>>
      %dma_wait3A_35 = arith.constant 0 : i32
      %dma_wait3A_36 = arith.constant 0 : i32
      %dma_wait3A_37 = tpu.memref_slice %dma_wait3A_34[%dma_wait3A_35, %dma_wait3A_36] : memref<10000x128xf32, #tpu.memory_space<hbm>> -> memref<10000x128xf32, #tpu.memory_space<hbm>>
      tpu.wait_indirect_dma semaphore(%arg10 : memref<!tpu.dma_semaphore, #tpu.memory_space<semaphore_mem>>) src(%dma_wait3A_37 : memref<10000x128xf32, #tpu.memory_space<hbm>>) dst(%arg8 : memref<128x128xf32, #tpu.memory_space<vmem>>)
      "tpu.region"() ({
        %run_scoped3A = tpu.sem_alloc : memref<!tpu.dma_semaphore, #tpu.memory_space<semaphore_mem>>
        %dma_start3A_38 = arith.constant 0 : i32
        %dma_start3A_39 = tpu.memref_slice %arg7[%scan3A_21, %dma_start3A_38] : memref<79x128xi32, #tpu.memory_space<vmem>> -> memref<1x128xi32, #tpu.memory_space<vmem>>
        %dma_start3A_40 = tpu.memref_squeeze %dma_start3A_39 : memref<1x128xi32, #tpu.memory_space<vmem>> -> memref<128xi32, #tpu.memory_space<vmem>>
        %dma_start3A_41 = arith.constant 0 : i32
        %dma_start3A_42 = arith.constant 0 : i32
        %dma_start3A_43 = tpu.memref_slice %arg9[%dma_start3A_41, %dma_start3A_42] : memref<10240x128xf32, #tpu.memory_space<vmem_shared>> -> memref<10240x128xf32, #tpu.memory_space<vmem_shared>>
        tpu.enqueue_indirect_dma source(%arg8 : memref<128x128xf32, #tpu.memory_space<vmem>>) target(%dma_start3A_43 : memref<10240x128xf32, #tpu.memory_space<vmem_shared>>) offsets(%dma_start3A_40 : memref<128xi32, #tpu.memory_space<vmem>>) semaphore(%run_scoped3A : memref<!tpu.dma_semaphore, #tpu.memory_space<semaphore_mem>>) {add = true}
        %dma_wait3A_44 = arith.constant 0 : i32
        %dma_wait3A_45 = tpu.memref_slice %arg7[%scan3A_21, %dma_wait3A_44] : memref<79x128xi32, #tpu.memory_space<vmem>> -> memref<1x128xi32, #tpu.memory_space<vmem>>
        %dma_wait3A_46 = tpu.memref_squeeze %dma_wait3A_45 : memref<1x128xi32, #tpu.memory_space<vmem>> -> memref<128xi32, #tpu.memory_space<vmem>>
        %dma_wait3A_47 = arith.constant 0 : i32
        %dma_wait3A_48 = arith.constant 0 : i32
        %dma_wait3A_49 = tpu.memref_slice %arg9[%dma_wait3A_47, %dma_wait3A_48] : memref<10240x128xf32, #tpu.memory_space<vmem_shared>> -> memref<10240x128xf32, #tpu.memory_space<vmem_shared>>
        tpu.wait_indirect_dma semaphore(%run_scoped3A : memref<!tpu.dma_semaphore, #tpu.memory_space<semaphore_mem>>) src(%arg8 : memref<128x128xf32, #tpu.memory_space<vmem>>) dst(%dma_wait3A_49 : memref<10240x128xf32, #tpu.memory_space<vmem_shared>>)
        tpu.yield
      }) : () -> ()
    }
    %scan3A_16 = arith.constant 79 : i32
    %barrier3A_17 = arith.constant 0 : index
    tpu.barrier barrier_id(%barrier3A_17)
    %mul3A = arith.constant 640 : i32
    %mul3A_18 = arith.muli %arg1, %mul3A : i32
    %mul3A_19 = arith.constant 640 : i32
    %mul3A_20 = arith.muli %arg1, %mul3A_19 : i32
    "tpu.region"() ({
      %run_scoped3A = tpu.sem_alloc : memref<!tpu.dma_semaphore, #tpu.memory_space<semaphore_mem>>
      %dma_start3A = arith.constant 0 : i32
      %dma_start3A_21 = tpu.memref_slice %arg5[%arg0, %mul3A_20, %dma_start3A] : memref<2x10240x128xf32, #tpu.memory_space<hbm>> -> memref<1x640x128xf32, #tpu.memory_space<hbm>>
      %dma_start3A_22 = tpu.memref_squeeze %dma_start3A_21 : memref<1x640x128xf32, #tpu.memory_space<hbm>> -> memref<640x128xf32, #tpu.memory_space<hbm>>
      %dma_start3A_23 = arith.constant 0 : i32
      %dma_start3A_24 = tpu.memref_slice %arg9[%mul3A_18, %dma_start3A_23] : memref<10240x128xf32, #tpu.memory_space<vmem_shared>> -> memref<640x128xf32, #tpu.memory_space<vmem_shared>>
      tpu.enqueue_dma source(%dma_start3A_24 : memref<640x128xf32, #tpu.memory_space<vmem_shared>>) target(%dma_start3A_22 : memref<640x128xf32, #tpu.memory_space<hbm>>) target_semaphore(%run_scoped3A : memref<!tpu.dma_semaphore, #tpu.memory_space<semaphore_mem>>)
      %dma_wait3A = arith.constant 0 : i32
      %dma_wait3A_25 = tpu.memref_slice %arg5[%arg0, %mul3A_20, %dma_wait3A] : memref<2x10240x128xf32, #tpu.memory_space<hbm>> -> memref<1x640x128xf32, #tpu.memory_space<hbm>>
      %dma_wait3A_26 = tpu.memref_squeeze %dma_wait3A_25 : memref<1x640x128xf32, #tpu.memory_space<hbm>> -> memref<640x128xf32, #tpu.memory_space<hbm>>
      %dma_wait3A_27 = arith.constant 0 : i32
      %dma_wait3A_28 = tpu.memref_slice %arg9[%mul3A_18, %dma_wait3A_27] : memref<10240x128xf32, #tpu.memory_space<vmem_shared>> -> memref<640x128xf32, #tpu.memory_space<vmem_shared>>
      tpu.wait_dma2 semaphore(%run_scoped3A : memref<!tpu.dma_semaphore, #tpu.memory_space<semaphore_mem>>) src(%dma_wait3A_28 : memref<640x128xf32, #tpu.memory_space<vmem_shared>>) dst(%dma_wait3A_26 : memref<640x128xf32, #tpu.memory_space<hbm>>)
      tpu.yield
    }) : () -> ()
    return
  }
}

module attributes {stable_mosaic.version = 14 : i64} {
  func.func @_tc_tail(%arg0: i32, %arg1: memref<2x5120x128xf32, #tpu.memory_space<vmem>>, %arg2: memref<2x128x256xf32, #tpu.memory_space<vmem>>, %arg3: memref<1x256xf32, #tpu.memory_space<vmem>>, %arg4: memref<1x256xf32, #tpu.memory_space<vmem>>, %arg5: memref<1x1xf32, #tpu.memory_space<vmem>>, %arg6: memref<1x1xf32, #tpu.memory_space<vmem>>, %arg7: memref<1x256xf32, #tpu.memory_space<vmem>>) attributes {dimension_semantics = [#tpu.dimension_semantics<arbitrary>], iteration_bounds = array<i64: 2>, scalar_prefetch = 0 : i64, scratch_operands = 1 : i64, tpu.core_type = #tpu.core_type<tc>, window_params = [{transform_indices = @transform_0, window_bounds = array<i64: 2, 5120, 128>}, {pipeline_mode = #tpu.pipeline_mode<synchronous>, transform_indices = @transform_1, window_bounds = array<i64: 2, 128, 256>}, {pipeline_mode = #tpu.pipeline_mode<synchronous>, transform_indices = @transform_2, window_bounds = array<i64: 1, 256>}, {pipeline_mode = #tpu.pipeline_mode<synchronous>, transform_indices = @transform_3, window_bounds = array<i64: 1, 256>}, {pipeline_mode = #tpu.pipeline_mode<synchronous>, transform_indices = @transform_4, window_bounds = array<i64: 1, 1>}, {pipeline_mode = #tpu.pipeline_mode<synchronous>, transform_indices = @transform_5, window_bounds = array<i64: 1, 1>}]} {
    %get3A = arith.constant 0 : index
    %get3A_0 = arith.constant 0 : index
    %get3A_1 = arith.constant 0 : index
    %get3A_2 = vector.load %arg1[%get3A, %get3A_0, %get3A_1] : memref<2x5120x128xf32, #tpu.memory_space<vmem>>, vector<2x5120x128xf32>
    %get3A_3 = arith.constant 0 : index
    %get3A_4 = arith.constant 0 : index
    %get3A_5 = arith.constant 0 : index
    %get3A_6 = vector.load %arg2[%get3A_3, %get3A_4, %get3A_5] : memref<2x128x256xf32, #tpu.memory_space<vmem>>, vector<2x128x256xf32>
    %slice3A = vector.extract_strided_slice %get3A_2 {offsets = [0, 0, 0], sizes = [1, 5120, 128], strides = [1, 1, 1]} : vector<2x5120x128xf32> to vector<1x5120x128xf32>
    %squeeze3A = vector.shape_cast %slice3A : vector<1x5120x128xf32> to vector<5120x128xf32>
    %slice3A_7 = vector.extract_strided_slice %get3A_6 {offsets = [0, 0, 0], sizes = [1, 128, 256], strides = [1, 1, 1]} : vector<2x128x256xf32> to vector<1x128x256xf32>
    %squeeze3A_8 = vector.shape_cast %slice3A_7 : vector<1x128x256xf32> to vector<128x256xf32>
    %dot_general3A = arith.constant dense<0.000000e+00> : vector<5120x256xf32>
    %dot_general3A_9 = tpu.matmul %squeeze3A, %squeeze3A_8, %dot_general3A {dimension_numbers = #tpu.dot_dimension_numbers<[1], [0], [0], [1], [0, 0, 1, 1], [], []>, transpose_lhs_hint = false} : vector<5120x128xf32>, vector<128x256xf32>, vector<5120x256xf32> -> vector<5120x256xf32>
    %slice3A_10 = vector.extract_strided_slice %get3A_2 {offsets = [1, 0, 0], sizes = [1, 5120, 128], strides = [1, 1, 1]} : vector<2x5120x128xf32> to vector<1x5120x128xf32>
    %squeeze3A_11 = vector.shape_cast %slice3A_10 : vector<1x5120x128xf32> to vector<5120x128xf32>
    %slice3A_12 = vector.extract_strided_slice %get3A_6 {offsets = [1, 0, 0], sizes = [1, 128, 256], strides = [1, 1, 1]} : vector<2x128x256xf32> to vector<1x128x256xf32>
    %squeeze3A_13 = vector.shape_cast %slice3A_12 : vector<1x128x256xf32> to vector<128x256xf32>
    %dot_general3A_14 = arith.constant dense<0.000000e+00> : vector<5120x256xf32>
    %dot_general3A_15 = tpu.matmul %squeeze3A_11, %squeeze3A_13, %dot_general3A_14 {dimension_numbers = #tpu.dot_dimension_numbers<[1], [0], [0], [1], [0, 0, 1, 1], [], []>, transpose_lhs_hint = false} : vector<5120x128xf32>, vector<128x256xf32>, vector<5120x256xf32> -> vector<5120x256xf32>
    %add3A = arith.addf %dot_general3A_9, %dot_general3A_15 : vector<5120x256xf32>
    %get3A_16 = arith.constant 0 : index
    %get3A_17 = arith.constant 0 : index
    %get3A_18 = vector.load %arg3[%get3A_16, %get3A_17] : memref<1x256xf32, #tpu.memory_space<vmem>>, vector<1x256xf32>
    %add3A_19 = vector.broadcast %get3A_18 : vector<1x256xf32> to vector<5120x256xf32>
    %add3A_20 = arith.addf %add3A, %add3A_19 : vector<5120x256xf32>
    %mul3A = arith.constant 5120 : i32
    %mul3A_21 = arith.muli %arg0, %mul3A : i32
    %iota3A = tpu.iota {dimensions = array<i32: 0>} : vector<5120x1xi32>
    %add3A_22 = vector.broadcast %mul3A_21 : i32 to vector<5120x1xi32>
    %add3A_23 = arith.addi %add3A_22, %iota3A : vector<5120x1xi32>
    %lt3A = arith.constant 10000 : i32
    %lt3A_24 = vector.broadcast %lt3A : i32 to vector<5120x1xi32>
    %lt3A_25 = arith.cmpi slt, %add3A_23, %lt3A_24 : vector<5120x1xi32>
    %max3A = arith.constant 0.000000e+00 : f32
    %max3A_26 = vector.broadcast %max3A : f32 to vector<5120x256xf32>
    %max3A_27 = arith.maximumf %add3A_20, %max3A_26 : vector<5120x256xf32>
    %jit3A = arith.constant 0.000000e+00 : f32
    %broadcast_in_dim3A = vector.shape_cast %lt3A_25 : vector<5120x1xi1> to vector<5120x1xi1>
    %broadcast_in_dim3A_28 = vector.broadcast %broadcast_in_dim3A : vector<5120x1xi1> to vector<5120x256xi1>
    %broadcast_in_dim3A_29 = vector.broadcast %jit3A : f32 to vector<5120x256xf32>
    %select_n3A = arith.select %broadcast_in_dim3A_28, %max3A_27, %broadcast_in_dim3A_29 : vector<5120x256xi1>, vector<5120x256xf32>
    %reduce_sum3A = arith.constant dense<0.000000e+00> : vector<256xf32>
    %reduce_sum3A_30 = vector.multi_reduction <add>, %select_n3A, %reduce_sum3A [0] : vector<5120x256xf32> to vector<256xf32>
    %broadcast_in_dim3A_31 = vector.shape_cast %reduce_sum3A_30 : vector<256xf32> to vector<1x256xf32>
    %eq3A = arith.constant 0 : i32
    %eq3A_32 = arith.cmpi eq, %arg0, %eq3A : i32
    %convert_element_type3A = arith.extui %eq3A_32 : i1 to i32
    %cond3A = arith.constant 0 : i32
    %cond3A_33 = arith.cmpi ne, %convert_element_type3A, %cond3A : i32
    scf.if %cond3A_33 {
      %swap3A = arith.constant 0 : index
      %swap3A_43 = arith.constant 0 : index
      %swap3A_44 = vector.load %arg7[%swap3A, %swap3A_43] : memref<1x256xf32, #tpu.memory_space<vmem>>, vector<1x256xf32>
      tpu.vector_store %arg7[%swap3A, %swap3A_43], %broadcast_in_dim3A_31 {strides = array<i32>} : memref<1x256xf32, #tpu.memory_space<vmem>>, vector<1x256xf32>,
    } else {
    }
    %gt3A = arith.constant 0 : i32
    %gt3A_34 = arith.cmpi sgt, %arg0, %gt3A : i32
    %convert_element_type3A_35 = arith.extui %gt3A_34 : i1 to i32
    %cond3A_36 = arith.constant 0 : i32
    %cond3A_37 = arith.cmpi ne, %convert_element_type3A_35, %cond3A_36 : i32
    scf.if %cond3A_37 {
      %get3A_43 = arith.constant 0 : index
      %get3A_44 = arith.constant 0 : index
      %get3A_45 = vector.load %arg7[%get3A_43, %get3A_44] : memref<1x256xf32, #tpu.memory_space<vmem>>, vector<1x256xf32>
      %add3A_46 = arith.addf %get3A_45, %broadcast_in_dim3A_31 : vector<1x256xf32>
      %swap3A = arith.constant 0 : index
      %swap3A_47 = arith.constant 0 : index
      %swap3A_48 = vector.load %arg7[%swap3A, %swap3A_47] : memref<1x256xf32, #tpu.memory_space<vmem>>, vector<1x256xf32>
      tpu.vector_store %arg7[%swap3A, %swap3A_47], %add3A_46 {strides = array<i32>} : memref<1x256xf32, #tpu.memory_space<vmem>>, vector<1x256xf32>,
    } else {
    }
    %eq3A_38 = arith.constant 1 : i32
    %eq3A_39 = arith.cmpi eq, %arg0, %eq3A_38 : i32
    %convert_element_type3A_40 = arith.extui %eq3A_39 : i1 to i32
    %cond3A_41 = arith.constant 0 : i32
    %cond3A_42 = arith.cmpi ne, %convert_element_type3A_40, %cond3A_41 : i32
    scf.if %cond3A_42 {
      %get3A_43 = arith.constant 0 : index
      %get3A_44 = arith.constant 0 : index
      %get3A_45 = vector.load %arg7[%get3A_43, %get3A_44] : memref<1x256xf32, #tpu.memory_space<vmem>>, vector<1x256xf32>
      %get3A_46 = arith.constant 0 : index
      %get3A_47 = arith.constant 0 : index
      %get3A_48 = vector.load %arg4[%get3A_46, %get3A_47] : memref<1x256xf32, #tpu.memory_space<vmem>>, vector<1x256xf32>
      %mul3A_49 = arith.mulf %get3A_45, %get3A_48 : vector<1x256xf32>
      %reduce_sum3A_50 = arith.constant dense<0.000000e+00> : vector<1xf32>
      %reduce_sum3A_51 = vector.multi_reduction <add>, %mul3A_49, %reduce_sum3A_50 [1] : vector<1x256xf32> to vector<1xf32>
      %broadcast_in_dim3A_52 = vector.shape_cast %reduce_sum3A_51 : vector<1xf32> to vector<1x1xf32>
      %get3A_53 = arith.constant 0 : index
      %get3A_54 = arith.constant 0 : index
      %get3A_55 = vector.load %arg5[%get3A_53, %get3A_54] : memref<1x1xf32, #tpu.memory_space<vmem>>, vector<1x1xf32>
      %add3A_56 = arith.addf %broadcast_in_dim3A_52, %get3A_55 : vector<1x1xf32>
      %swap3A = arith.constant 0 : index
      %swap3A_57 = arith.constant 0 : index
      %swap3A_58 = vector.load %arg6[%swap3A, %swap3A_57] : memref<1x1xf32, #tpu.memory_space<vmem>>, vector<1x1xf32>
      tpu.vector_store %arg6[%swap3A, %swap3A_57], %add3A_56 {strides = array<i32>} : memref<1x1xf32, #tpu.memory_space<vmem>>, vector<1x1xf32>,
    } else {
    }
    return
  }
  func.func @transform_0(%arg0: i32) -> (i32, i32, i32) {
    %c0_i32 = arith.constant 0 : i32
    %c0_i32_0 = arith.constant 0 : i32
    %c0_i32_1 = arith.constant 0 : i32
    return %c0_i32, %arg0, %c0_i32_0 : i32, i32, i32
  }
  func.func @transform_1(%arg0: i32) -> (i32, i32, i32) {
    %c0_i32 = arith.constant 0 : i32
    %c0_i32_0 = arith.constant 0 : i32
    %c0_i32_1 = arith.constant 0 : i32
    %c0_i32_2 = arith.constant 0 : i32
    return %c0_i32, %c0_i32_0, %c0_i32_1 : i32, i32, i32
  }
  func.func @transform_2(%arg0: i32) -> (i32, i32) {
    %c0_i32 = arith.constant 0 : i32
    %c0_i32_0 = arith.constant 0 : i32
    %c0_i32_1 = arith.constant 0 : i32
    return %c0_i32, %c0_i32_0 : i32, i32
  }
  func.func @transform_3(%arg0: i32) -> (i32, i32) {
    %c0_i32 = arith.constant 0 : i32
    %c0_i32_0 = arith.constant 0 : i32
    %c0_i32_1 = arith.constant 0 : i32
    return %c0_i32, %c0_i32_0 : i32, i32
  }
  func.func @transform_4(%arg0: i32) -> (i32, i32) {
    %c0_i32 = arith.constant 0 : i32
    %c0_i32_0 = arith.constant 0 : i32
    %c0_i32_1 = arith.constant 0 : i32
    return %c0_i32, %c0_i32_0 : i32, i32
  }
  func.func @transform_5(%arg0: i32) -> (i32, i32) {
    %c0_i32 = arith.constant 0 : i32
    %c0_i32_0 = arith.constant 0 : i32
    %c0_i32_1 = arith.constant 0 : i32
    return %c0_i32, %c0_i32_0 : i32, i32
  }
}

</mosaic_0001>

<sc_bundles>
// kernel: kernel.4.cloned.1.call-start
scs
__scs_entry_jumppad:
0x0: {  	(pc) =	sbr.rel $0x88, $3  }
0x1: {  	(tag) =	ssettag $0x0;
	lr =	simm.s32 $0x1  }
0x2: {  	[smem:$0x3F9B] =	sst lr;
	_ =	strace $0xD0000000  }
0x3: {  	_ = 	snop  }
0x4: {  	_ = 	snop  }
0x5: {  	_ = 	snop  }
0x6: {  	_ = 	snop  }
0x7: {  	_ = 	snop  }
__scs_overlays_trampoline_lowered:
0x8: {  	[smem:$0x3FAA] =	sst s0  }
0x9: {  	[smem:$0x3FAB] =	sst s1  }
0xa: {  	[smem:$0x3FAC] =	sst s2  }
0xb: {  	[smem:$0x3FAD] =	sst s3  }
0xc: {  	[smem:$0x3FAE] =	sst s4  }
0xd: {  	[smem:$0x3FAF] =	sst s5  }
0xe: {  	[smem:$0x3FB0] =	sst s6  }
0xf: {  	[smem:$0x3FB1] =	sst s7  }
0x10: {  	[smem:$0x3FB2] =	sst s8  }
0x11: {  	[smem:$0x3FB3] =	sst s9;
	s0 =	simm.s32 @!p0 $0x0  }
0x12: {  	s1 =	sld [smem:$0x3F99];
	s0 =	simm.s32 @p0 $0x1  }
0x13: {  	[smem:$0x3FB4] =	sst s0;
	s0 =	simm.s32 @!p1 $0x0  }
0x14: {  	s2 =	sld [smem:$0x3F98];
	s0 =	simm.s32 @p1 $0x1  }
0x15: {  	[smem:$0x3FB5] =	sst s0;
	s0 =	simm.s32 @!p2 $0x0  }
0x16: {  	s3 =	sld [smem:$0x3FDB];
	s0 =	simm.s32 @p2 $0x1  }
0x17: {  	s4 =	simm.s32 $0x1BF5;
	[smem:$0x3FB7] =	sst s0  }
0x18: {  	s0 =	sld [smem:$0x3F9A];
	_ =	swait.ge [sflag:s4], $0x0  }
0x19: {  	s7 =	sld [smem:$0x3F9B]  }
0x1a: {  	s8 =	sadd.s32 $0xFFFFE003, lr  }
0x1b: {  	s9 =	sadd.s32 $0xFFFFFEF7, lr;
	s5 =	simm.s32 $0xFFFFFFFF;
	p2 =	slt.u32 s8, $0xFFFFF086  }
0x1c: {  	p1 =	slt.u32 s9, $0xF7A;
	s5 =	simm.s32 @!p2 $0x0  }
0x1d: {  	s5 =	simm.s32 @p1 $0x1;
	p0 =	seq.s32 s7, s2  }
0x1e: {  	s7 =	smul.u32 @!p0 $0xF7A, s2;
	p2 =	seq.s32 @!p0 s5, $0x0  }
0x1f: {  	s9 =	smul.u32 $0xF7A, s1;
	s8 =	simm.s32 @!p0 $0x1BF5;
	p2 =	por !p2, p0  }
0x20: {  	[sflag:s8] =	ssyncset.s32 @!p0 $0xFFFFF086;
	s6 =	sadd.s32 @!p0 s3, s7;
	s7 =	simm.s32 @!p0 $0x108  }
0x21: {  	s3 =	sadd.s32 s3, s9;
	s6 =	sadd.s32 @!p0 $0x88, s6;
	s7 =	simm.s32 @p2 $0x1082  }
0x22: {  	[simem:s7], [sflag:s8] =	dma.local @!p0 [hbm:s6], $0xF7A  }
0x23: {  	s9 =	sor.u32 $0xD0000000, s2;
	s6 =	simm.s32 $0x108;
	_ =	swait.ge @!p0 [sflag:s8], $0x0  }
0x24: {  	s3 =	sadd.s32 $0x88, s3;
	s6 =	simm.s32 @!p1 $0x1082;
	[sflag:s4] =	ssyncset.s32 $0xFFFFF086  }
0x25: {  	[simem:s6], [sflag:s4] =	dma.local [hbm:s3], $0xF7A  }
0x26: {  	[smem:$0x3F9B] =	sst s1;
	(tag) =	ssettag s2;
	_ =	strace s9  }
0x27: {  	s1 =	sld [smem:$0x3FAB]  }
0x28: {  	s2 =	sld [smem:$0x3FAC]  }
0x29: {  	s4 =	sld [smem:$0x3FAE]  }
0x2a: {  	p0 =	seq.s32 s5, $0x0;
	s5 =	sld [smem:$0x3FAF]  }
0x2b: {  	s6 =	sld [smem:$0x3FB0]  }
0x2c: {  	s7 =	sld [smem:$0x3FB1]  }
0x2d: {  	s3 =	simm.s32 $0x108;
	s8 =	sld [smem:$0x3FB2]  }
0x2e: {  	s3 =	simm.s32 @!p0 $0x1082;
	s9 =	sld [smem:$0x3FB3]  }
0x2f: {  	lr =	sadd.s32 s0, s3;
	s0 =	sld [smem:$0x3FAA]  }
0x30: {  	s3 =	sld [smem:$0x3FAD]  }
0x31: {  	[smem:$0x3FB6] =	sst s10  }
0x32: {  	s10 =	sld [smem:$0x3FB4];
	_ =	sdelay $0x3  }
0x33: {  	p0 =	seq.s32 s10, $0x1;
	s10 =	sld [smem:$0x3FB6];
	_ =	sdelay $0x3  }
0x34: {  	[smem:$0x3FB6] =	sst s10  }
0x35: {  	s10 =	sld [smem:$0x3FB5];
	_ =	sdelay $0x3  }
0x36: {  	p1 =	seq.s32 s10, $0x1;
	s10 =	sld [smem:$0x3FB6];
	_ =	sdelay $0x3  }
0x37: {  	[smem:$0x3FB6] =	sst s10  }
0x38: {  	s10 =	sld [smem:$0x3FB7]  }
0x39: {  	_ = 	snop;
	(pc) =	sbr.ind lr, $3  }
0x3a: {  	_ = 	snop  }
0x3b: {  	_ = 	snop  }
0x3c: {  	p2 =	seq.s32 s10, $0x1;
	s10 =	sld [smem:$0x3FB6]  }
0x3d: {  	_ =	shalt  }
0x3e: {  	_ =	shalt  }
0x3f: {  	_ =	shalt  }
0x40: {  	_ =	shalt  }
0x41: {  	_ =	shalt  }
0x42: {  	_ =	shalt  }
0x43: {  	_ =	shalt  }
0x44: {  	_ =	shalt  }
0x45: {  	_ =	shalt  }
0x46: {  	_ =	shalt  }
0x47: {  	_ =	shalt  }
0x48: {  	_ =	shalt  }
0x49: {  	_ =	shalt  }
0x4a: {  	_ =	shalt  }
0x4b: {  	_ =	shalt  }
0x4c: {  	_ =	shalt  }
0x4d: {  	_ =	shalt  }
0x4e: {  	_ =	shalt  }
0x4f: {  	_ =	shalt  }
0x50: {  	_ =	shalt  }
0x51: {  	_ =	shalt  }
0x52: {  	_ =	shalt  }
0x53: {  	_ =	shalt  }
0x54: {  	_ =	shalt  }
0x55: {  	_ =	shalt  }
0x56: {  	_ =	shalt  }
0x57: {  	_ =	shalt  }
0x58: {  	_ =	shalt  }
0x59: {  	_ =	shalt  }
0x5a: {  	_ =	shalt  }
0x5b: {  	_ =	shalt  }
0x5c: {  	_ =	shalt  }
0x5d: {  	_ =	shalt  }
0x5e: {  	_ =	shalt  }
0x5f: {  	_ =	shalt  }
0x60: {  	_ =	shalt  }
0x61: {  	_ =	shalt  }
0x62: {  	_ =	shalt  }
0x63: {  	_ =	shalt  }
0x64: {  	_ =	shalt  }
0x65: {  	_ =	shalt  }
0x66: {  	_ =	shalt  }
0x67: {  	_ =	shalt  }
0x68: {  	_ =	shalt  }
0x69: {  	_ =	shalt  }
0x6a: {  	_ =	shalt  }
0x6b: {  	_ =	shalt  }
0x6c: {  	_ =	shalt  }
0x6d: {  	_ =	shalt  }
0x6e: {  	_ =	shalt  }
0x6f: {  	_ =	shalt  }
0x70: {  	_ =	shalt  }
0x71: {  	_ =	shalt  }
0x72: {  	_ =	shalt  }
0x73: {  	_ =	shalt  }
0x74: {  	_ =	shalt  }
0x75: {  	_ =	shalt  }
0x76: {  	_ =	shalt  }
0x77: {  	_ =	shalt  }
0x78: {  	_ =	shalt  }
0x79: {  	_ =	shalt  }
0x7a: {  	_ =	shalt  }
0x7b: {  	_ =	shalt  }
0x7c: {  	_ =	shalt  }
0x7d: {  	_ =	shalt  }
0x7e: {  	_ =	shalt  }
0x7f: {  	_ =	shalt  }
0x80: {  	_ =	shalt  }
0x81: {  	_ =	shalt  }
0x82: {  	_ =	shalt  }
0x83: {  	_ =	shalt  }
0x84: {  	_ =	shalt  }
0x85: {  	_ =	shalt  }
0x86: {  	_ =	shalt  }
0x87: {  	_ =	shalt  }
.Lfunc_end0:
.L_simem_size_0:
called_computation_lowered:
.L_overlay_start_0:
0x88: {  	s2 =	sld [smem:$0x3FD9]  }
0x89: {  	s3 =	sld [smem:$0x3FFE];
	_ =	sdelay $0x1  }
0x8a: {  	s1 =	srdreg.scid  }
0x8b: {  	s0 =	sand.u32 $0x1, s1  }
0x8c: {  	s17 =	sshll.u32 s0, $0xA;
	s2 =	sadd.s32 s3, s2  }
0x8d: {  	s2 =	sadd.s32 s2, s17  }
0x8e: {  	[smem:$0x3FC2] =	sst s2  }
0x8f: {  	_ = 	snop  }
0x90: {  	s2 =	sld [smem:$0x3FC9];
	(tm) =	ssettm $0x1  }
0x91: {  	s18 =	sld [smem:$0x3FFB];
	_ =	sdelay $0x3  }
0x92: {  	_ =	strace s18  }
0x93: {  	s3 =	sld [smem:$0x3FFC];
	_ =	sdelay $0x3  }
0x94: {  	_ =	strace s3  }
0x95: {  	s3 =	sld [smem:$0x3FFD];
	_ =	sdelay $0x3  }
0x96: {  	_ =	strace s3  }
0x97: {  	_ =	strace $0x8FFFFFFF  }
0x98: {  	s19 =	sld [smem:$0x3FDB];
	_ =	sdelay $0x1  }
0x99: {  	s4 =	simm.s32 $_scs_section_size  }
0x9a: {  	s5 =	simm.s32 $_size__tile_overlayer_lowered;
	s6 =	simm.s32 $_tile_overlayer_lowered  }
0x9b: {  	s22 =	simm.s32 $0x1BFF;
	s21 =	sshll.u32 s6, $0x1;
	s3 =	sadd.s32 s4, s19  }
0x9c: {  	s7 =	simm.s32 $0x0;
	s20 =	sshll.u32 s5, $0x1;
	s5 =	sadd.s32 s21, s3  }
0x9d: {  	[timem:s7], [sflag:s22] =	dma.local [hbm:s5], s20  }
0x9e: {  	_ =	swait.ge [sflag:s22], s20  }
0x9f: {  	s4 =	ssub.s32 $0x0, s20;
	[sflag:s22] =	ssyncset.done $0x0  }
0xa0: {  	[sflag:s22] =	ssyncadd.s32 s4;
	_ =	sdelay $0x1  }
0xa1: {  	s23 =	simm.s32 $0x1B8B  }
0xa2: {  	_ =	swait.ge [sflag:s23], $0x1  }
0xa3: {  	[sflag:s23] =	ssyncset.done $0x0  }
0xa4: {  	s25 =	simm.s32 $0x1B8E;
	s24 =	sld [smem:$0x3FFE];
	[sflag:s23] =	ssyncadd.s32 $0xFFFFFFFF  }
0xa5: {  	s26 =	simm.s32 $execute0_lowered;
	[smem:$0x3FD2] =	sst s25  }
0xa6: {  	s5 =	sshll.u32 s26, $0x1;
	_ =	strace $0x80000046;
	[dreg:$0x1] =	wrdreg $0xFFFFFFFF  }
0xa7: {  	s28 =	simm.s32 $_size_execute0_lowered;
	s3 =	sadd.s32 s3, s5;
	[dreg:$0x0] =	wrdreg $0x0  }
0xa8: {  	s5 =	sshll.u32 s28, $0x1;
	[dreg:$0x2] =	wrdreg s3  }
0xa9: {  	[dreg:$0x3] =	wrdreg s5  }
0xaa: {  	[dreg:$0x4] =	wrdreg $0xC0  }
0xab: {  	_ =	task [dreg:s7], $0x5FFFF  }
0xac: {  	[dreg:$0x1] =	wrdreg $0xFFFFFFFF  }
0xad: {  	[dreg:$0x0] =	wrdreg $0x60  }
0xae: {  	[dreg:$0x2] =	wrdreg s2  }
0xaf: {  	[dreg:$0x3] =	wrdreg s24  }
0xb0: {  	[dreg:$0x4] =	wrdreg $0x90000  }
0xb1: {  	[dreg:$0x5] =	wrdreg $0x9  }
0xb2: {  	_ =	task.clear_ibuf [dreg:s7], $0x6FFFF;
	_ =	strace $0x90000046  }
0xb3: {  	s29 =	simm.s32 $0x9;
	_ =	strace $0x80000048  }
0xb4: {  	_ =	swait.ge [sflag:s29], $0x1  }
0xb5: {  	[sflag:s29] =	ssyncadd.s32 $0xFFFFFFFF  }
0xb6: {  	_ =	strace $0x90000048  }
0xb7: {  	_ =	sfence  }
0xb8: {  	s30 =	sld [smem:$0x0];
	_ =	sdelay $0x2  }
0xb9: {  	s31 =	sshll.u32 s1, $0xD;
	s1 =	sshrl.u32 s1, $0x2  }
0xba: {  	s3 =	sand.u32 $0x4000, s31;
	s1 =	sadd.s32 s1, s30  }
0xbb: {  	s0 =	sor.u32 s3, s0;
	s1 =	sshll.u32 s1, $0x11  }
0xbc: {  	s0 =	sor.u32 s1, s0  }
0xbd: {  	s0 =	sadd.s32 $0x8F2B, s0  }
0xbe: {  	[sflag:s0] =	ssyncadd.remote.s32 $0x1  }
0xbf: {  	_ =	sfence.sel $0xFFFF  }
0xc0: {  	[dreg:$0x0] =	wrdreg $0xFFFFFFFF;
	(pc) =	sbr.abs _section_cstart, $3  }
0xc1: {  	[dreg:$0x1] =	wrdreg $0xFFFFFFFF  }
0xc2: {  	_ =	task.clear_ibuf [dreg:s7], $0x2FFFF;
	_ =	strace $0x9FFFFFFF  }
0xc3: {  	(tm) =	ssettm $0x7FFFFFFF  }
tec
execute0_lowered:
.L_overlay_start_1:
0x0: {  	(tag) =	ssettag $0x1  }
0x1: {  	s0 =	rddreg [dreg:$0x0]  }
0x2: {  	s3 =	rddreg [dreg:$0x1]  }
0x3: {  	s1 =	rddreg [dreg:$0x2];
	s2 =	simm.s32 $0x0  }
0x4: {  	s4 =	simm.s32 $0x5080;
	[smem:$0x7FF] =	sst s2  }
0x5: {  	s14 =	simm.s32 $0x5100;
	_ =	strace $0x80000047;
	[dreg:$0x4] =	wrdreg s4  }
0x6: {  	s15 =	simm.s32 $0x5180;
	[dreg:$0x5] =	wrdreg s14  }
0x7: {  	s16 =	simm.s32 $0x5200;
	[dreg:$0x6] =	wrdreg s15  }
0x8: {  	s17 =	simm.s32 $0x5280;
	[dreg:$0x7] =	wrdreg s16  }
0x9: {  	s18 =	simm.s32 $0x5300;
	[dreg:$0x8] =	wrdreg s17  }
0xa: {  	s19 =	simm.s32 $0x5380;
	[dreg:$0x9] =	wrdreg s18  }
0xb: {  	s20 =	simm.s32 $0x5400;
	[dreg:$0xa] =	wrdreg s19  }
0xc: {  	s21 =	simm.s32 $0x5480;
	[dreg:$0xb] =	wrdreg s20  }
0xd: {  	s22 =	simm.s32 $0x5500;
	[dreg:$0xc] =	wrdreg s21  }
0xe: {  	s23 =	simm.s32 $0x5580;
	[dreg:$0xd] =	wrdreg s22  }
0xf: {  	s24 =	simm.s32 $0x5600;
	[dreg:$0xe] =	wrdreg s23  }
0x10: {  	s25 =	simm.s32 $0x5680;
	[dreg:$0xf] =	wrdreg s24  }
0x11: {  	s26 =	simm.s32 $0x5700;
	[dreg:$0x10] =	wrdreg s25  }
0x12: {  	s5 =	simm.s32 $0x5780;
	[dreg:$0x11] =	wrdreg s26  }
0x13: {  	s6 =	simm.s32 $0x5800;
	[dreg:$0x12] =	wrdreg s5  }
0x14: {  	s7 =	simm.s32 $0x5880;
	[dreg:$0x13] =	wrdreg s6  }
0x15: {  	s8 =	simm.s32 $0x5900;
	[dreg:$0x14] =	wrdreg s7  }
0x16: {  	s9 =	simm.s32 $0x5980;
	[dreg:$0x15] =	wrdreg s8  }
0x17: {  	s10 =	simm.s32 $0x5A00;
	[dreg:$0x16] =	wrdreg s9  }
0x18: {  	s11 =	simm.s32 $0x5A80;
	[dreg:$0x17] =	wrdreg s10  }
0x19: {  	s12 =	simm.s32 $0x5B00;
	[dreg:$0x18] =	wrdreg s11  }
0x1a: {  	s13 =	simm.s32 $0x5B80;
	[dreg:$0x19] =	wrdreg s12  }
0x1b: {  	[dreg:$0x1a] =	wrdreg s13;
	s14 =	simm.s32 $0x5C00  }
0x1c: {  	s15 =	simm.s32 $0x5C80;
	[dreg:$0x1b] =	wrdreg s14  }
0x1d: {  	s16 =	simm.s32 $0x5D00;
	[dreg:$0x1c] =	wrdreg s15  }
0x1e: {  	s17 =	simm.s32 $0x5D80;
	[dreg:$0x1d] =	wrdreg s16  }
0x1f: {  	s18 =	simm.s32 $0x5E00;
	[dreg:$0x1e] =	wrdreg s17  }
0x20: {  	s19 =	simm.s32 $0x5E80;
	[dreg:$0x1f] =	wrdreg s18  }
0x21: {  	s20 =	simm.s32 $0x5F00;
	[smem:$0x7A6] =	sst s19  }
0x22: {  	s21 =	simm.s32 $0x5F80;
	[smem:$0x7A7] =	sst s20  }
0x23: {  	s22 =	simm.s32 $0x6000;
	[smem:$0x7A8] =	sst s21  }
0x24: {  	s23 =	simm.s32 $0x6080;
	[smem:$0x7A9] =	sst s22  }
0x25: {  	s24 =	simm.s32 $0x6100;
	[smem:$0x7AA] =	sst s23  }
0x26: {  	s25 =	simm.s32 $0x6180;
	[smem:$0x7AB] =	sst s24  }
0x27: {  	s26 =	simm.s32 $0x6200;
	[smem:$0x7AC] =	sst s25  }
0x28: {  	s5 =	simm.s32 $0x6280;
	[smem:$0x7AD] =	sst s26  }
0x29: {  	s6 =	simm.s32 $0x6300;
	[smem:$0x7AE] =	sst s5  }
0x2a: {  	s7 =	simm.s32 $0x6380;
	[smem:$0x7AF] =	sst s6  }
0x2b: {  	s8 =	simm.s32 $0x6400;
	[smem:$0x7B0] =	sst s7  }
0x2c: {  	s9 =	simm.s32 $0x6480;
	[smem:$0x7B1] =	sst s8  }
0x2d: {  	s10 =	simm.s32 $0x6500;
	[smem:$0x7B2] =	sst s9  }
0x2e: {  	s11 =	simm.s32 $0x6580;
	[smem:$0x7B3] =	sst s10  }
0x2f: {  	s12 =	simm.s32 $0x6600;
	[smem:$0x7B4] =	sst s11  }
0x30: {  	s13 =	simm.s32 $0x6680;
	[smem:$0x7B5] =	sst s12  }
0x31: {  	[smem:$0x7B6] =	sst s13;
	s14 =	simm.s32 $0x6700  }
0x32: {  	s15 =	simm.s32 $0x6780;
	[smem:$0x7B7] =	sst s14  }
0x33: {  	s16 =	simm.s32 $0x6800;
	[smem:$0x7B8] =	sst s15  }
0x34: {  	s17 =	simm.s32 $0x6880;
	[smem:$0x7B9] =	sst s16  }
0x35: {  	s18 =	simm.s32 $0x6900;
	[smem:$0x7BA] =	sst s17  }
0x36: {  	s19 =	simm.s32 $0x6980;
	[smem:$0x7BB] =	sst s18  }
0x37: {  	s20 =	simm.s32 $0x6A00;
	[smem:$0x7BC] =	sst s19  }
0x38: {  	s21 =	simm.s32 $0x6A80;
	[smem:$0x7BD] =	sst s20  }
0x39: {  	s22 =	simm.s32 $0x6B00;
	[smem:$0x7BE] =	sst s21  }
0x3a: {  	s23 =	simm.s32 $0x6B80;
	[smem:$0x7BF] =	sst s22  }
0x3b: {  	s24 =	simm.s32 $0x6C00;
	[smem:$0x7C0] =	sst s23  }
0x3c: {  	s25 =	simm.s32 $0x6C80;
	[smem:$0x7C1] =	sst s24  }
0x3d: {  	s26 =	simm.s32 $0x6D00;
	[smem:$0x7C2] =	sst s25  }
0x3e: {  	s5 =	simm.s32 $0x6D80;
	[smem:$0x7C3] =	sst s26  }
0x3f: {  	s6 =	simm.s32 $0x6E00;
	[smem:$0x7C4] =	sst s5  }
0x40: {  	s7 =	simm.s32 $0x6E80;
	[smem:$0x7C5] =	sst s6  }
0x41: {  	s8 =	simm.s32 $0x6F00;
	[smem:$0x7C6] =	sst s7  }
0x42: {  	s9 =	simm.s32 $0x6F80;
	[smem:$0x7C7] =	sst s8  }
0x43: {  	s10 =	simm.s32 $0x7000;
	[smem:$0x7C8] =	sst s9  }
0x44: {  	s11 =	simm.s32 $0x7080;
	[smem:$0x7C9] =	sst s10  }
0x45: {  	s12 =	simm.s32 $0x7100;
	[smem:$0x7CA] =	sst s11  }
0x46: {  	s13 =	simm.s32 $0x7180;
	[smem:$0x7CB] =	sst s12  }
0x47: {  	[smem:$0x7CC] =	sst s13;
	s14 =	simm.s32 $0x7200  }
0x48: {  	s15 =	simm.s32 $0x7280;
	[smem:$0x7CD] =	sst s14  }
0x49: {  	s16 =	simm.s32 $0x7300;
	[smem:$0x7CE] =	sst s15  }
0x4a: {  	s17 =	simm.s32 $0x7380;
	[smem:$0x7CF] =	sst s16  }
0x4b: {  	s18 =	simm.s32 $0x7400;
	[smem:$0x7D0] =	sst s17  }
0x4c: {  	s19 =	simm.s32 $0x7480;
	[smem:$0x7D1] =	sst s18  }
0x4d: {  	s20 =	simm.s32 $0x7500;
	[smem:$0x7D2] =	sst s19  }
0x4e: {  	s21 =	simm.s32 $0x7580;
	[smem:$0x7D3] =	sst s20  }
0x4f: {  	s22 =	simm.s32 $0x7600;
	[smem:$0x7D4] =	sst s21  }
0x50: {  	s23 =	simm.s32 $0x7680;
	[smem:$0x7D5] =	sst s22  }
0x51: {  	s24 =	simm.s32 $0x7700;
	[smem:$0x7D6] =	sst s23  }
0x52: {  	s25 =	simm.s32 $0x7780;
	[smem:$0x7D7] =	sst s24  }
0x53: {  	s26 =	simm.s32 $0x7800;
	[smem:$0x7D8] =	sst s25  }
0x54: {  	s7 =	simm.s32 $0x7880;
	[smem:$0x7D9] =	sst s26  }
0x55: {  	s8 =	simm.s32 $0x7900;
	[smem:$0x7DA] =	sst s7  }
0x56: {  	s10 =	simm.s32 $0x7980;
	[smem:$0x7DB] =	sst s8  }
0x57: {  	s11 =	simm.s32 $0x7A00;
	[smem:$0x7DC] =	sst s10  }
0x58: {  	s12 =	simm.s32 $0x7A80;
	[smem:$0x7DD] =	sst s11  }
0x59: {  	s28 =	simm.s32 $0x8B00;
	s13 =	simm.s32 $0x7B00;
	[smem:$0x7DE] =	sst s12  }
0x5a: {  	s29 =	simm.s32 $0x8B80;
	[smem:$0x7DF] =	sst s13;
	s14 =	simm.s32 $0x7B80  }
0x5b: {  	s30 =	simm.s32 $0x8C00;
	s15 =	simm.s32 $0x7C00;
	[smem:$0x7E0] =	sst s14  }
0x5c: {  	s31 =	simm.s32 $0x8C80;
	s17 =	simm.s32 $0x7C80;
	[smem:$0x7E1] =	sst s15  }
0x5d: {  	s9 =	stileid.u32;
	s19 =	simm.s32 $0x7D00;
	[smem:$0x7E2] =	sst s17  }
0x5e: {  	s6 =	srdreg.scid;
	s20 =	simm.s32 $0x7D80;
	[smem:$0x7E3] =	sst s19  }
0x5f: {  	s5 =	smul.u32 $0x500, s9;
	s21 =	simm.s32 $0x7E00;
	[smem:$0x7E4] =	sst s20  }
0x60: {  	s6 =	sand.u32 $0x1, s6;
	s23 =	simm.s32 $0x7E80;
	[smem:$0x7E5] =	sst s21  }
0x61: {  	s8 =	smul.u32 $0x14000, s9;
	s25 =	simm.s32 $0x7F00;
	[smem:$0x7E6] =	sst s23  }
0x62: {  	s9 =	smul.u32 $0x50000, s9;
	s10 =	simm.s32 $0x8000;
	[smem:$0x7E8] =	sst s25  }
0x63: {  	s11 =	simm.s32 $0x8080;
	s12 =	simm.s32 $0x8100;
	[smem:$0x7EB] =	sst s10  }
0x64: {  	s13 =	simm.s32 $0x8180;
	s7 =	smul.u32 $0x140000, s6;
	[smem:$0x7EC] =	sst s11  }
0x65: {  	s16 =	ssub.s32 $0x2, s6;
	s6 =	sshll.u32 s6, $0x7;
	[smem:$0x7EE] =	sst s12  }
0x66: {  	[smem:$0x7F0] =	sst s13;
	s15 =	simm.s32 $0x8200;
	s17 =	simm.s32 $0x8280  }
0x67: {  	s19 =	simm.s32 $0x8300;
	s21 =	simm.s32 $0x8380;
	[smem:$0x7F2] =	sst s15  }
0x68: {  	s23 =	simm.s32 $0x8400;
	s25 =	simm.s32 $0x8500;
	[smem:$0x7F4] =	sst s17  }
0x69: {  	s10 =	simm.s32 $0x80;
	s11 =	simm.s32 $0x0;
	[smem:$0x7F6] =	sst s19  }
0x6a: {  	s5 =	sadd.s32 s5, s3;
	s18 =	sshrl.u32 s16, $0x1;
	[smem:$0x7F9] =	sst s21  }
0x6b: {  	s22 =	sshrl.u32 s9, $0x2;
	s9 =	simm.s32 $0x7F80;
	[smem:$0x7FA] =	sst s23  }
0x6c: {  	s15 =	simm.s32 $0x2;
	[smem:$0x7FC] =	sst s25;
	s17 =	simm.s32 $0x8600  }
0x6d: {  	s19 =	simm.s32 $0x8700;
	s21 =	simm.s32 $0x8800;
	s23 =	simm.s32 $0x8900  }
0x6e: {  	s25 =	simm.s32 $0x8A00;
	s26 =	sadd.s32 $0x5400, s5;
	[smem:$0x7EA] =	sst s9  }
0x6f: {  	s7 =	sadd.s32 s8, s7;
	s5 =	sadd.s32 $0x400, s5;
	[smem:$0x7E7] =	sst s26  }
0x70: {  	s8 =	ssub.s32 s16, s18;
	s24 =	sadd.s32 s22, s1;
	[smem:$0x7E9] =	sst s5  }
0x71: {  	s9 =	simm.s32 $0x1;
	s14 =	smax.u32 s8, $0x1;
	[smem:$0x7F7] =	sst s24  }
0x72: {  	s7 =	sshrl.u32 s7, $0x3;
	s16 =	sadd.s32 $0x4000, s24;
	[smem:$0x7EF] =	sst s14  }
0x73: {  	s18 =	sadd.s32 $0x8000, s24;
	s20 =	sadd.s32 $0xC000, s24;
	[smem:$0x7F1] =	sst s16  }
0x74: {  	s22 =	sadd.s32 $0x10000, s24;
	s24 =	simm.s32 $0x8480;
	[smem:$0x7F3] =	sst s18  }
0x75: {  	v0 =	vimm.f32 $0.0e+00;
	v1 =	vimm.s32 $0x7;
	s26 =	simm.s32 $0x8580;
	s5 =	simm.s32 $0x8E80;
	[smem:$0x7F5] =	sst s20  }
0x76: {  	v2 =	vimm.s32 $0x1;
	v3 =	vimm.s32 $0x0;
	v4 =	vlaneseq.u32;
	s8 =	simm.s32 $0x8F80;
	s3 =	sadd.s32 s7, s3;
	[smem:$0x7F8] =	sst s22  }
0x77: {  	vm0 =	vmmov $0x1;
	v5 =	vimm.s32 $0x2;
	v6 =	vimm.s32 $0x3;
	s7 =	sadd.s32 s0, s6;
	s14 =	simm.s32 $0x5000;
	[smem:$0x7FB] =	sst s24  }
0x78: {  	v7 =	vimm.s32 $0x4;
	v8 =	vimm.s32 $0x5;
	v9 =	vimm.s32 $0x6;
	[smem:$0x7FD] =	sst s26;
	s18 =	simm.s32 $0x8680;
	s20 =	simm.s32 $0x8780  }
0x79: {  	v10 =	vimm.s32 $0x8;
	v11 =	vimm.s32 $0x9;
	v12 =	vimm.s32 $0xA;
	s22 =	simm.s32 $0x8880;
	s24 =	simm.s32 $0x8980;
	s26 =	simm.s32 $0x8A80  }
0x7a: {  	v13 =	vimm.s32 $0xB;
	v14 =	vimm.s32 $0xC;
	v15 =	vimm.s32 $0xD;
	s0 =	simm.s32 $0x8D00;
	s16 =	simm.s32 $0x8E00;
	s3 =	sadd.s32 $0xA400, s3  }
0x7b: {  	v16 =	vimm.s32 $0xE;
	v17 =	vimm.s32 $0xF;
	v4 =	vmul.u32 $0x8, v4;
	s6 =	simm.s32 $0x8F00;
	[smem:$0x7ED] =	sst s3;
	s3 =	simm.s32 $0x8D80  }
.LBB2_1:
0x7c: {  	[smem:$0x7A5] =	sst s11;
	s12 =	simm.s32 $0x0;
	s13 =	simm.s32 $0x200  }
.LBB2_2:
0x7d: {  	p0 =	sne.s32 s13, $0xFE00;
	[tilespmem:s12+$0x5070] =	vst v0  }
0x7e: {  	[tilespmem:s12+$0x5000] =	vst v0  }
0x7f: {  	[tilespmem:s12+$0x5010] =	vst v0  }
.Ltmp0:
0x80: {  	[tilespmem:s12+$0x5020] =	vst v0;
	(pc) =	sbr.rel @p0 .LBB2_2-.Ltmp0, $4  }
0x81: {  	[tilespmem:s12+$0x5030] =	vst v0  }
0x82: {  	[tilespmem:s12+$0x5040] =	vst v0  }
0x83: {  	[tilespmem:s12+$0x5050] =	vst v0  }
0x84: {  	[tilespmem:s12+$0x5060] =	vst v0;
	s12 =	sshra.s32 s13, $0x2;
	s13 =	sadd.s32 $0x200, s13  }
0x85: {  	[tilespmem:s12+$0x5070] =	vst v0  }
0x86: {  	[tilespmem:s12+$0x5000] =	vst v0  }
0x87: {  	[tilespmem:s12+$0x5010] =	vst v0  }
0x88: {  	[tilespmem:s12+$0x5020] =	vst v0  }
0x89: {  	[tilespmem:s12+$0x5030] =	vst v0  }
0x8a: {  	[tilespmem:s12+$0x5040] =	vst v0;
	s4 =	sld [smem:$0x7F7]  }
0x8b: {  	[tilespmem:s12+$0x5050] =	vst v0  }
0x8c: {  	[tilespmem:s12+$0x5060] =	vst v0  }
0x8d: {  	[spmem:s4] =	stream.linear.scatter [tilespmem:s14], [sflag:$0x2], $0x4000, $0x38;
	[tilespmem:$0x1D000] =	vst v63  }
0x8e: {  	_ =	swait.ge [sflag:s15], $0x4000  }
0x8f: {  	s13 =	sld [smem:$0x7F1]  }
0x90: {  	[sflag:s15] =	ssyncset.done $0x0  }
0x91: {  	[sflag:s15] =	ssyncadd.s32 $0xFFFFC000  }
0x92: {  	[spmem:s13] =	stream.linear.scatter [tilespmem:s14], [sflag:$0x2], $0x4000, $0x38;
	[tilespmem:$0x1D000] =	vst v63  }
0x93: {  	_ =	swait.ge [sflag:s15], $0x4000  }
0x94: {  	s11 =	sld [smem:$0x7F3]  }
0x95: {  	[sflag:s15] =	ssyncset.done $0x0  }
0x96: {  	[sflag:s15] =	ssyncadd.s32 $0xFFFFC000  }
0x97: {  	[spmem:s11] =	stream.linear.scatter [tilespmem:s14], [sflag:$0x2], $0x4000, $0x38;
	[tilespmem:$0x1D000] =	vst v63  }
0x98: {  	_ =	swait.ge [sflag:s15], $0x4000  }
0x99: {  	s12 =	sld [smem:$0x7F5]  }
0x9a: {  	[sflag:s15] =	ssyncset.done $0x0  }
0x9b: {  	[sflag:s15] =	ssyncadd.s32 $0xFFFFC000  }
0x9c: {  	[spmem:s12] =	stream.linear.scatter [tilespmem:s14], [sflag:$0x2], $0x4000, $0x38;
	[tilespmem:$0x1D000] =	vst v63  }
0x9d: {  	_ =	swait.ge [sflag:s15], $0x4000  }
0x9e: {  	s13 =	sld [smem:$0x7F8]  }
0x9f: {  	[sflag:s15] =	ssyncset.done $0x0  }
0xa0: {  	[sflag:s15] =	ssyncadd.s32 $0xFFFFC000  }
0xa1: {  	[spmem:s13] =	stream.linear.scatter [tilespmem:s14], [sflag:$0x2], $0x4000, $0x38;
	[tilespmem:$0x1D000] =	vst v63  }
0xa2: {  	_ =	swait.ge [sflag:s15], $0x4000  }
0xa3: {  	[sflag:s15] =	ssyncset.done $0x0  }
0xa4: {  	[sflag:s15] =	ssyncadd.s32 $0xFFFFC000  }
0xa5: {  	[bflag:$0x0] =	sbarrier.arrive $0xFFFF  }
0xa6: {  	s11 =	sld [smem:$0x7E7];
	_ =	sdelay $0x1  }
0xa7: {  	s12 =	simm.s32 $0x0  }
0xa8: {  	[tilespmem:s12], [sflag:$0x2] =	stream.linear.gather [hbm4b:s11+s12], $0x2780, $0x38;
	[tilespmem:$0x1D000] =	vst v63  }
0xa9: {  	_ =	swait.ge [sflag:s15], $0x2780  }
0xaa: {  	s13 =	sld [smem:$0x7E9]  }
0xab: {  	[sflag:s15] =	ssyncset.done $0x0  }
0xac: {  	s11 =	simm.s32 $0x2800;
	[sflag:s15] =	ssyncadd.s32 $0xFFFFD880  }
0xad: {  	[tilespmem:s11], [sflag:$0x2] =	stream.linear.gather [hbm4b:s13+s12], $0x2780, $0x38;
	[tilespmem:$0x1D000] =	vst v63  }
0xae: {  	_ =	swait.ge [sflag:s15], $0x2780  }
0xaf: {  	[sflag:s15] =	ssyncset.done $0x0  }
0xb0: {  	[sflag:s15] =	ssyncadd.s32 $0xFFFFD880  }
.LBB2_4:
0xb1: {  	s13 =	sshra.s32 s12, $0x2  }
0xb2: {  	v18 =	vld [tilespmem:s13+$0x0];
	_ =	sdelay $0x4  }
0xb3: {  	v19 =	vshll.u32 v18, $0x1  }
0xb4: {  	v18 =	vand.u32 $0x7, v18;
	v19 =	vand.u32 $0xFFFFFFF0, v19  }
0xb5: {  	v18 =	vor.u32 v18, v19  }
0xb6: {  	v19 =	vperm.xlane v18, v3;
	_ =	sdelay $0x1  }
0xb7: {  	v20 =	vperm.xlane v18, v2;
	v19 =	vadd.s32 v4, v19;
	_ =	sdelay $0x1  }
0xb8: {  	v21 =	vperm.xlane v18, v5;
	v20 =	vadd.s32 v4, v20;
	_ =	sdelay $0x1  }
0xb9: {  	v22 =	vperm.xlane v18, v6;
	v21 =	vadd.s32 v4, v21  }
0xba: {  	[tilespmem:s14], [sflag:$0x1] =	stream.indirect_vreg.gather [hbm4b:s7+s2], $0x80, v19, vm0, $0xb8;
	[tilespmem:$0x1D000] =	vst v63  }
0xbb: {  	s4 =	rddreg [dreg:$0x4];
	v51 =	vperm.xlane v18, v7;
	v19 =	vadd.s32 v4, v22  }
0xbc: {  	[tilespmem:s4], [sflag:$0x1] =	stream.indirect_vreg.gather [hbm4b:s7+s2], $0x80, v20, vm0, $0xb8;
	[tilespmem:$0x1D000] =	vst v63  }
0xbd: {  	s11 =	rddreg [dreg:$0x5];
	v53 =	vperm.xlane v18, v8;
	v52 =	vadd.s32 v4, v51  }
0xbe: {  	[tilespmem:s11], [sflag:$0x1] =	stream.indirect_vreg.gather [hbm4b:s7+s2], $0x80, v21, vm0, $0xb8;
	[tilespmem:$0x1D000] =	vst v63  }
0xbf: {  	v55 =	vperm.xlane v18, v9;
	v54 =	vadd.s32 v4, v53;
	s4 =	rddreg [dreg:$0x6]  }
0xc0: {  	[tilespmem:s4], [sflag:$0x1] =	stream.indirect_vreg.gather [hbm4b:s7+s2], $0x80, v19, vm0, $0xb8;
	[tilespmem:$0x1D000] =	vst v63  }
0xc1: {  	v56 =	vperm.xlane v18, v1;
	s11 =	rddreg [dreg:$0x7];
	v19 =	vadd.s32 v4, v55  }
0xc2: {  	[tilespmem:s11], [sflag:$0x1] =	stream.indirect_vreg.gather [hbm4b:s7+s2], $0x80, v52, vm0, $0xb8;
	[tilespmem:$0x1D000] =	vst v63  }
0xc3: {  	v58 =	vperm.xlane v18, v10;
	v57 =	vadd.s32 v4, v56;
	s4 =	rddreg [dreg:$0x8]  }
0xc4: {  	[tilespmem:s4], [sflag:$0x1] =	stream.indirect_vreg.gather [hbm4b:s7+s2], $0x80, v54, vm0, $0xb8;
	[tilespmem:$0x1D000] =	vst v63  }
0xc5: {  	v60 =	vperm.xlane v18, v11;
	v59 =	vadd.s32 v4, v58;
	s11 =	rddreg [dreg:$0x9]  }
0xc6: {  	[tilespmem:s11], [sflag:$0x1] =	stream.indirect_vreg.gather [hbm4b:s7+s2], $0x80, v19, vm0, $0xb8;
	[tilespmem:$0x1D000] =	vst v63  }
0xc7: {  	v61 =	vperm.xlane v18, v12;
	s4 =	rddreg [dreg:$0xa];
	v19 =	vadd.s32 v4, v60  }
0xc8: {  	[tilespmem:s4], [sflag:$0x1] =	stream.indirect_vreg.gather [hbm4b:s7+s2], $0x80, v57, vm0, $0xb8;
	[tilespmem:$0x1D000] =	vst v63  }
0xc9: {  	v63 =	vperm.xlane v18, v13;
	v62 =	vadd.s32 v4, v61;
	s11 =	rddreg [dreg:$0xb]  }
0xca: {  	[tilespmem:s11], [sflag:$0x1] =	stream.indirect_vreg.gather [hbm4b:s7+s2], $0x80, v59, vm0, $0xb8;
	[tilespmem:$0x1D000] =	vst v63  }
0xcb: {  	v25 =	vperm.xlane v18, v14;
	v24 =	vadd.s32 v4, v63;
	s4 =	rddreg [dreg:$0xc]  }
0xcc: {  	[tilespmem:s4], [sflag:$0x1] =	stream.indirect_vreg.gather [hbm4b:s7+s2], $0x80, v19, vm0, $0xb8;
	[tilespmem:$0x1D000] =	vst v63  }
0xcd: {  	v26 =	vperm.xlane v18, v15;
	s11 =	rddreg [dreg:$0xd];
	v19 =	vadd.s32 v4, v25  }
0xce: {  	[tilespmem:s11], [sflag:$0x1] =	stream.indirect_vreg.gather [hbm4b:s7+s2], $0x80, v62, vm0, $0xb8;
	[tilespmem:$0x1D000] =	vst v63  }
0xcf: {  	v28 =	vperm.xlane v18, v16;
	v27 =	vadd.s32 v4, v26;
	s4 =	rddreg [dreg:$0xe]  }
0xd0: {  	[tilespmem:s4], [sflag:$0x1] =	stream.indirect_vreg.gather [hbm4b:s7+s2], $0x80, v24, vm0, $0xb8;
	[tilespmem:$0x1D000] =	vst v63  }
0xd1: {  	v18 =	vperm.xlane v18, v17;
	v29 =	vadd.s32 v4, v28;
	s11 =	rddreg [dreg:$0xf]  }
0xd2: {  	[tilespmem:s11], [sflag:$0x1] =	stream.indirect_vreg.gather [hbm4b:s7+s2], $0x80, v19, vm0, $0xb8;
	[tilespmem:$0x1D000] =	vst v63  }
0xd3: {  	v18 =	vadd.s32 v4, v18;
	s4 =	rddreg [dreg:$0x10]  }
0xd4: {  	[tilespmem:s4], [sflag:$0x1] =	stream.indirect_vreg.gather [hbm4b:s7+s2], $0x80, v27, vm0, $0xb8;
	[tilespmem:$0x1D000] =	vst v63  }
0xd5: {  	s11 =	rddreg [dreg:$0x11]  }
0xd6: {  	[tilespmem:s11], [sflag:$0x1] =	stream.indirect_vreg.gather [hbm4b:s7+s2], $0x80, v29, vm0, $0xb8;
	[tilespmem:$0x1D000] =	vst v63  }
0xd7: {  	s4 =	rddreg [dreg:$0x12]  }
0xd8: {  	[tilespmem:s4], [sflag:$0x1] =	stream.indirect_vreg.gather [hbm4b:s7+s2], $0x80, v18, vm0, $0xb8;
	[tilespmem:$0x1D000] =	vst v63  }
0xd9: {  	v18 =	vld [tilespmem:s13+$0x10];
	_ =	sdelay $0x4  }
0xda: {  	v19 =	vshll.u32 v18, $0x1  }
0xdb: {  	v18 =	vand.u32 $0x7, v18;
	v19 =	vand.u32 $0xFFFFFFF0, v19  }
0xdc: {  	v18 =	vor.u32 v18, v19  }
0xdd: {  	v19 =	vperm.xlane v18, v3;
	_ =	sdelay $0x1  }
0xde: {  	v30 =	vperm.xlane v18, v2;
	v19 =	vadd.s32 v4, v19;
	_ =	sdelay $0x1  }
0xdf: {  	v31 =	vperm.xlane v18, v5;
	v20 =	vadd.s32 v4, v30  }
0xe0: {  	s11 =	rddreg [dreg:$0x14]  }
0xe1: {  	s4 =	rddreg [dreg:$0x13];
	v32 =	vperm.xlane v18, v6;
	v21 =	vadd.s32 v4, v31  }
0xe2: {  	[tilespmem:s4], [sflag:$0x1] =	stream.indirect_vreg.gather [hbm4b:s7+s2], $0x80, v19, vm0, $0xb8;
	[tilespmem:$0x1D000] =	vst v63  }
0xe3: {  	v33 =	vperm.xlane v18, v7;
	s4 =	rddreg [dreg:$0x15];
	v19 =	vadd.s32 v4, v32  }
0xe4: {  	[tilespmem:s11], [sflag:$0x1] =	stream.indirect_vreg.gather [hbm4b:s7+s2], $0x80, v20, vm0, $0xb8;
	[tilespmem:$0x1D000] =	vst v63  }
0xe5: {  	v35 =	vperm.xlane v18, v8;
	v34 =	vadd.s32 v4, v33;
	s11 =	rddreg [dreg:$0x16]  }
0xe6: {  	[tilespmem:s4], [sflag:$0x1] =	stream.indirect_vreg.gather [hbm4b:s7+s2], $0x80, v21, vm0, $0xb8;
	[tilespmem:$0x1D000] =	vst v63  }
0xe7: {  	v37 =	vperm.xlane v18, v9;
	v36 =	vadd.s32 v4, v35;
	s4 =	rddreg [dreg:$0x17]  }
0xe8: {  	[tilespmem:s11], [sflag:$0x1] =	stream.indirect_vreg.gather [hbm4b:s7+s2], $0x80, v19, vm0, $0xb8;
	[tilespmem:$0x1D000] =	vst v63  }
0xe9: {  	v38 =	vperm.xlane v18, v1;
	s11 =	rddreg [dreg:$0x18];
	v19 =	vadd.s32 v4, v37  }
0xea: {  	[tilespmem:s4], [sflag:$0x1] =	stream.indirect_vreg.gather [hbm4b:s7+s2], $0x80, v34, vm0, $0xb8;
	[tilespmem:$0x1D000] =	vst v63  }
0xeb: {  	v40 =	vperm.xlane v18, v10;
	v39 =	vadd.s32 v4, v38;
	s4 =	rddreg [dreg:$0x19]  }
0xec: {  	[tilespmem:s11], [sflag:$0x1] =	stream.indirect_vreg.gather [hbm4b:s7+s2], $0x80, v36, vm0, $0xb8;
	[tilespmem:$0x1D000] =	vst v63  }
0xed: {  	v42 =	vperm.xlane v18, v11;
	v41 =	vadd.s32 v4, v40;
	s11 =	rddreg [dreg:$0x1a]  }
0xee: {  	[tilespmem:s4], [sflag:$0x1] =	stream.indirect_vreg.gather [hbm4b:s7+s2], $0x80, v19, vm0, $0xb8;
	[tilespmem:$0x1D000] =	vst v63  }
0xef: {  	v43 =	vperm.xlane v18, v12;
	s4 =	rddreg [dreg:$0x1b];
	v19 =	vadd.s32 v4, v42  }
0xf0: {  	[tilespmem:s11], [sflag:$0x1] =	stream.indirect_vreg.gather [hbm4b:s7+s2], $0x80, v39, vm0, $0xb8;
	[tilespmem:$0x1D000] =	vst v63  }
0xf1: {  	v45 =	vperm.xlane v18, v13;
	v44 =	vadd.s32 v4, v43;
	s11 =	rddreg [dreg:$0x1c]  }
0xf2: {  	[tilespmem:s4], [sflag:$0x1] =	stream.indirect_vreg.gather [hbm4b:s7+s2], $0x80, v41, vm0, $0xb8;
	[tilespmem:$0x1D000] =	vst v63  }
0xf3: {  	v47 =	vperm.xlane v18, v14;
	v46 =	vadd.s32 v4, v45;
	s4 =	rddreg [dreg:$0x1d]  }
0xf4: {  	[tilespmem:s11], [sflag:$0x1] =	stream.indirect_vreg.gather [hbm4b:s7+s2], $0x80, v19, vm0, $0xb8;
	[tilespmem:$0x1D000] =	vst v63  }
0xf5: {  	v48 =	vperm.xlane v18, v15;
	s11 =	rddreg [dreg:$0x1e];
	v19 =	vadd.s32 v4, v47  }
0xf6: {  	[tilespmem:s4], [sflag:$0x1] =	stream.indirect_vreg.gather [hbm4b:s7+s2], $0x80, v44, vm0, $0xb8;
	[tilespmem:$0x1D000] =	vst v63  }
0xf7: {  	v50 =	vperm.xlane v18, v16;
	v49 =	vadd.s32 v4, v48;
	s4 =	rddreg [dreg:$0x1f]  }
0xf8: {  	[tilespmem:s11], [sflag:$0x1] =	stream.indirect_vreg.gather [hbm4b:s7+s2], $0x80, v46, vm0, $0xb8;
	[tilespmem:$0x1D000] =	vst v63  }
0xf9: {  	v18 =	vperm.xlane v18, v17;
	v51 =	vadd.s32 v4, v50;
	s11 =	sld [smem:$0x7A6]  }
0xfa: {  	[tilespmem:s4], [sflag:$0x1] =	stream.indirect_vreg.gather [hbm4b:s7+s2], $0x80, v19, vm0, $0xb8;
	[tilespmem:$0x1D000] =	vst v63  }
0xfb: {  	v18 =	vadd.s32 v4, v18;
	s4 =	sld [smem:$0x7A7]  }
0xfc: {  	[tilespmem:s11], [sflag:$0x1] =	stream.indirect_vreg.gather [hbm4b:s7+s2], $0x80, v49, vm0, $0xb8;
	[tilespmem:$0x1D000] =	vst v63  }
0xfd: {  	s11 =	sld [smem:$0x7A8]  }
0xfe: {  	[tilespmem:s4], [sflag:$0x1] =	stream.indirect_vreg.gather [hbm4b:s7+s2], $0x80, v51, vm0, $0xb8;
	[tilespmem:$0x1D000] =	vst v63  }
0xff: {  	_ = 	snop  }
0x100: {  	[tilespmem:s11], [sflag:$0x1] =	stream.indirect_vreg.gather [hbm4b:s7+s2], $0x80, v18, vm0, $0xb8;
	[tilespmem:$0x1D000] =	vst v63  }
0x101: {  	v18 =	vld [tilespmem:s13+$0x20];
	_ =	sdelay $0x4  }
0x102: {  	v19 =	vshll.u32 v18, $0x1  }
0x103: {  	v18 =	vand.u32 $0x7, v18;
	v19 =	vand.u32 $0xFFFFFFF0, v19  }
0x104: {  	v18 =	vor.u32 v18, v19  }
0x105: {  	v19 =	vperm.xlane v18, v3;
	_ =	sdelay $0x1  }
0x106: {  	v52 =	vperm.xlane v18, v2;
	v19 =	vadd.s32 v4, v19;
	_ =	sdelay $0x1  }
0x107: {  	s4 =	sld [smem:$0x7A9];
	v53 =	vperm.xlane v18, v5;
	v20 =	vadd.s32 v4, v52;
	_ =	sdelay $0x1  }
0x108: {  	s11 =	sld [smem:$0x7AA];
	v54 =	vperm.xlane v18, v6;
	v21 =	vadd.s32 v4, v53  }
0x109: {  	[tilespmem:s4], [sflag:$0x1] =	stream.indirect_vreg.gather [hbm4b:s7+s2], $0x80, v19, vm0, $0xb8;
	[tilespmem:$0x1D000] =	vst v63  }
0x10a: {  	v55 =	vperm.xlane v18, v7;
	s4 =	sld [smem:$0x7AB];
	v19 =	vadd.s32 v4, v54  }
0x10b: {  	[tilespmem:s11], [sflag:$0x1] =	stream.indirect_vreg.gather [hbm4b:s7+s2], $0x80, v20, vm0, $0xb8;
	[tilespmem:$0x1D000] =	vst v63  }
0x10c: {  	v57 =	vperm.xlane v18, v8;
	v56 =	vadd.s32 v4, v55;
	s11 =	sld [smem:$0x7AC]  }
0x10d: {  	[tilespmem:s4], [sflag:$0x1] =	stream.indirect_vreg.gather [hbm4b:s7+s2], $0x80, v21, vm0, $0xb8;
	[tilespmem:$0x1D000] =	vst v63  }
0x10e: {  	v59 =	vperm.xlane v18, v9;
	v58 =	vadd.s32 v4, v57;
	s4 =	sld [smem:$0x7AD]  }
0x10f: {  	[tilespmem:s11], [sflag:$0x1] =	stream.indirect_vreg.gather [hbm4b:s7+s2], $0x80, v19, vm0, $0xb8;
	[tilespmem:$0x1D000] =	vst v63  }
0x110: {  	v60 =	vperm.xlane v18, v1;
	s11 =	sld [smem:$0x7AE];
	v19 =	vadd.s32 v4, v59  }
0x111: {  	[tilespmem:s4], [sflag:$0x1] =	stream.indirect_vreg.gather [hbm4b:s7+s2], $0x80, v56, vm0, $0xb8;
	[tilespmem:$0x1D000] =	vst v63  }
0x112: {  	v62 =	vperm.xlane v18, v10;
	v61 =	vadd.s32 v4, v60;
	s4 =	sld [smem:$0x7AF]  }
0x113: {  	[tilespmem:s11], [sflag:$0x1] =	stream.indirect_vreg.gather [hbm4b:s7+s2], $0x80, v58, vm0, $0xb8;
	[tilespmem:$0x1D000] =	vst v63  }
0x114: {  	v24 =	vperm.xlane v18, v11;
	v63 =	vadd.s32 v4, v62;
	s11 =	sld [smem:$0x7B0]  }
0x115: {  	[tilespmem:s4], [sflag:$0x1] =	stream.indirect_vreg.gather [hbm4b:s7+s2], $0x80, v19, vm0, $0xb8;
	[tilespmem:$0x1D000] =	vst v63  }
0x116: {  	v25 =	vperm.xlane v18, v12;
	s4 =	sld [smem:$0x7B1];
	v19 =	vadd.s32 v4, v24  }
0x117: {  	[tilespmem:s11], [sflag:$0x1] =	stream.indirect_vreg.gather [hbm4b:s7+s2], $0x80, v61, vm0, $0xb8;
	[tilespmem:$0x1D000] =	vst v63  }
0x118: {  	v27 =	vperm.xlane v18, v13;
	v26 =	vadd.s32 v4, v25;
	s11 =	sld [smem:$0x7B2]  }
0x119: {  	[tilespmem:s4], [sflag:$0x1] =	stream.indirect_vreg.gather [hbm4b:s7+s2], $0x80, v63, vm0, $0xb8;
	[tilespmem:$0x1D000] =	vst v63  }
0x11a: {  	v29 =	vperm.xlane v18, v14;
	v28 =	vadd.s32 v4, v27;
	s4 =	sld [smem:$0x7B3]  }
0x11b: {  	[tilespmem:s11], [sflag:$0x1] =	stream.indirect_vreg.gather [hbm4b:s7+s2], $0x80, v19, vm0, $0xb8;
	[tilespmem:$0x1D000] =	vst v63  }
0x11c: {  	v30 =	vperm.xlane v18, v15;
	s11 =	sld [smem:$0x7B4];
	v19 =	vadd.s32 v4, v29  }
0x11d: {  	[tilespmem:s4], [sflag:$0x1] =	stream.indirect_vreg.gather [hbm4b:s7+s2], $0x80, v26, vm0, $0xb8;
	[tilespmem:$0x1D000] =	vst v63  }
0x11e: {  	v32 =	vperm.xlane v18, v16;
	v31 =	vadd.s32 v4, v30;
	s4 =	sld [smem:$0x7B5]  }
0x11f: {  	[tilespmem:s11], [sflag:$0x1] =	stream.indirect_vreg.gather [hbm4b:s7+s2], $0x80, v28, vm0, $0xb8;
	[tilespmem:$0x1D000] =	vst v63  }
0x120: {  	v18 =	vperm.xlane v18, v17;
	v33 =	vadd.s32 v4, v32;
	s11 =	sld [smem:$0x7B6]  }
0x121: {  	[tilespmem:s4], [sflag:$0x1] =	stream.indirect_vreg.gather [hbm4b:s7+s2], $0x80, v19, vm0, $0xb8;
	[tilespmem:$0x1D000] =	vst v63  }
0x122: {  	v18 =	vadd.s32 v4, v18;
	s4 =	sld [smem:$0x7B7]  }
0x123: {  	[tilespmem:s11], [sflag:$0x1] =	stream.indirect_vreg.gather [hbm4b:s7+s2], $0x80, v31, vm0, $0xb8;
	[tilespmem:$0x1D000] =	vst v63  }
0x124: {  	s11 =	sld [smem:$0x7B8]  }
0x125: {  	[tilespmem:s4], [sflag:$0x1] =	stream.indirect_vreg.gather [hbm4b:s7+s2], $0x80, v33, vm0, $0xb8;
	[tilespmem:$0x1D000] =	vst v63  }
0x126: {  	_ = 	snop  }
0x127: {  	[tilespmem:s11], [sflag:$0x1] =	stream.indirect_vreg.gather [hbm4b:s7+s2], $0x80, v18, vm0, $0xb8;
	[tilespmem:$0x1D000] =	vst v63  }
0x128: {  	v18 =	vld [tilespmem:s13+$0x30];
	_ =	sdelay $0x4  }
0x129: {  	v19 =	vshll.u32 v18, $0x1  }
0x12a: {  	v18 =	vand.u32 $0x7, v18;
	v19 =	vand.u32 $0xFFFFFFF0, v19  }
0x12b: {  	v18 =	vor.u32 v18, v19  }
0x12c: {  	v19 =	vperm.xlane v18, v3;
	_ =	sdelay $0x1  }
0x12d: {  	v34 =	vperm.xlane v18, v2;
	v19 =	vadd.s32 v4, v19;
	_ =	sdelay $0x1  }
0x12e: {  	s4 =	sld [smem:$0x7B9];
	v35 =	vperm.xlane v18, v5;
	v20 =	vadd.s32 v4, v34;
	_ =	sdelay $0x1  }
0x12f: {  	s11 =	sld [smem:$0x7BA];
	v36 =	vperm.xlane v18, v6;
	v21 =	vadd.s32 v4, v35  }
0x130: {  	[tilespmem:s4], [sflag:$0x1] =	stream.indirect_vreg.gather [hbm4b:s7+s2], $0x80, v19, vm0, $0xb8;
	[tilespmem:$0x1D000] =	vst v63  }
0x131: {  	v37 =	vperm.xlane v18, v7;
	s4 =	sld [smem:$0x7BB];
	v19 =	vadd.s32 v4, v36  }
0x132: {  	[tilespmem:s11], [sflag:$0x1] =	stream.indirect_vreg.gather [hbm4b:s7+s2], $0x80, v20, vm0, $0xb8;
	[tilespmem:$0x1D000] =	vst v63  }
0x133: {  	v39 =	vperm.xlane v18, v8;
	v38 =	vadd.s32 v4, v37;
	s11 =	sld [smem:$0x7BC]  }
0x134: {  	[tilespmem:s4], [sflag:$0x1] =	stream.indirect_vreg.gather [hbm4b:s7+s2], $0x80, v21, vm0, $0xb8;
	[tilespmem:$0x1D000] =	vst v63  }
0x135: {  	v41 =	vperm.xlane v18, v9;
	v40 =	vadd.s32 v4, v39;
	s4 =	sld [smem:$0x7BD]  }
0x136: {  	[tilespmem:s11], [sflag:$0x1] =	stream.indirect_vreg.gather [hbm4b:s7+s2], $0x80, v19, vm0, $0xb8;
	[tilespmem:$0x1D000] =	vst v63  }
0x137: {  	v42 =	vperm.xlane v18, v1;
	s11 =	sld [smem:$0x7BE];
	v19 =	vadd.s32 v4, v41  }
0x138: {  	[tilespmem:s4], [sflag:$0x1] =	stream.indirect_vreg.gather [hbm4b:s7+s2], $0x80, v38, vm0, $0xb8;
	[tilespmem:$0x1D000] =	vst v63  }
0x139: {  	v44 =	vperm.xlane v18, v10;
	v43 =	vadd.s32 v4, v42;
	s4 =	sld [smem:$0x7BF]  }
0x13a: {  	[tilespmem:s11], [sflag:$0x1] =	stream.indirect_vreg.gather [hbm4b:s7+s2], $0x80, v40, vm0, $0xb8;
	[tilespmem:$0x1D000] =	vst v63  }
0x13b: {  	v46 =	vperm.xlane v18, v11;
	v45 =	vadd.s32 v4, v44;
	s11 =	sld [smem:$0x7C0]  }
0x13c: {  	[tilespmem:s4], [sflag:$0x1] =	stream.indirect_vreg.gather [hbm4b:s7+s2], $0x80, v19, vm0, $0xb8;
	[tilespmem:$0x1D000] =	vst v63  }
0x13d: {  	v47 =	vperm.xlane v18, v12;
	s4 =	sld [smem:$0x7C1];
	v19 =	vadd.s32 v4, v46  }
0x13e: {  	[tilespmem:s11], [sflag:$0x1] =	stream.indirect_vreg.gather [hbm4b:s7+s2], $0x80, v43, vm0, $0xb8;
	[tilespmem:$0x1D000] =	vst v63  }
0x13f: {  	v49 =	vperm.xlane v18, v13;
	v48 =	vadd.s32 v4, v47;
	s11 =	sld [smem:$0x7C2]  }
0x140: {  	[tilespmem:s4], [sflag:$0x1] =	stream.indirect_vreg.gather [hbm4b:s7+s2], $0x80, v45, vm0, $0xb8;
	[tilespmem:$0x1D000] =	vst v63  }
0x141: {  	v51 =	vperm.xlane v18, v14;
	v50 =	vadd.s32 v4, v49;
	s4 =	sld [smem:$0x7C3]  }
0x142: {  	[tilespmem:s11], [sflag:$0x1] =	stream.indirect_vreg.gather [hbm4b:s7+s2], $0x80, v19, vm0, $0xb8;
	[tilespmem:$0x1D000] =	vst v63  }
0x143: {  	v52 =	vperm.xlane v18, v15;
	s11 =	sld [smem:$0x7C4];
	v19 =	vadd.s32 v4, v51  }
0x144: {  	[tilespmem:s4], [sflag:$0x1] =	stream.indirect_vreg.gather [hbm4b:s7+s2], $0x80, v48, vm0, $0xb8;
	[tilespmem:$0x1D000] =	vst v63  }
0x145: {  	v54 =	vperm.xlane v18, v16;
	v53 =	vadd.s32 v4, v52;
	s4 =	sld [smem:$0x7C5]  }
0x146: {  	[tilespmem:s11], [sflag:$0x1] =	stream.indirect_vreg.gather [hbm4b:s7+s2], $0x80, v50, vm0, $0xb8;
	[tilespmem:$0x1D000] =	vst v63  }
0x147: {  	v18 =	vperm.xlane v18, v17;
	v55 =	vadd.s32 v4, v54;
	s11 =	sld [smem:$0x7C6]  }
0x148: {  	[tilespmem:s4], [sflag:$0x1] =	stream.indirect_vreg.gather [hbm4b:s7+s2], $0x80, v19, vm0, $0xb8;
	[tilespmem:$0x1D000] =	vst v63  }
0x149: {  	v18 =	vadd.s32 v4, v18;
	s4 =	sld [smem:$0x7C7]  }
0x14a: {  	[tilespmem:s11], [sflag:$0x1] =	stream.indirect_vreg.gather [hbm4b:s7+s2], $0x80, v53, vm0, $0xb8;
	[tilespmem:$0x1D000] =	vst v63  }
0x14b: {  	s11 =	sld [smem:$0x7C8]  }
0x14c: {  	[tilespmem:s4], [sflag:$0x1] =	stream.indirect_vreg.gather [hbm4b:s7+s2], $0x80, v55, vm0, $0xb8;
	[tilespmem:$0x1D000] =	vst v63  }
0x14d: {  	_ = 	snop  }
0x14e: {  	[tilespmem:s11], [sflag:$0x1] =	stream.indirect_vreg.gather [hbm4b:s7+s2], $0x80, v18, vm0, $0xb8;
	[tilespmem:$0x1D000] =	vst v63  }
0x14f: {  	v18 =	vld [tilespmem:s13+$0x40];
	_ =	sdelay $0x4  }
0x150: {  	v19 =	vshll.u32 v18, $0x1  }
0x151: {  	v18 =	vand.u32 $0x7, v18;
	v19 =	vand.u32 $0xFFFFFFF0, v19  }
0x152: {  	v18 =	vor.u32 v18, v19  }
0x153: {  	v19 =	vperm.xlane v18, v3;
	_ =	sdelay $0x1  }
0x154: {  	v56 =	vperm.xlane v18, v2;
	v19 =	vadd.s32 v4, v19;
	_ =	sdelay $0x1  }
0x155: {  	s4 =	sld [smem:$0x7C9];
	v57 =	vperm.xlane v18, v5;
	v20 =	vadd.s32 v4, v56;
	_ =	sdelay $0x1  }
0x156: {  	s11 =	sld [smem:$0x7CA];
	v58 =	vperm.xlane v18, v6;
	v21 =	vadd.s32 v4, v57  }
0x157: {  	[tilespmem:s4], [sflag:$0x1] =	stream.indirect_vreg.gather [hbm4b:s7+s2], $0x80, v19, vm0, $0xb8;
	[tilespmem:$0x1D000] =	vst v63  }
0x158: {  	v59 =	vperm.xlane v18, v7;
	s4 =	sld [smem:$0x7CB];
	v19 =	vadd.s32 v4, v58  }
0x159: {  	[tilespmem:s11], [sflag:$0x1] =	stream.indirect_vreg.gather [hbm4b:s7+s2], $0x80, v20, vm0, $0xb8;
	[tilespmem:$0x1D000] =	vst v63  }
0x15a: {  	v61 =	vperm.xlane v18, v8;
	v60 =	vadd.s32 v4, v59;
	s11 =	sld [smem:$0x7CC]  }
0x15b: {  	[tilespmem:s4], [sflag:$0x1] =	stream.indirect_vreg.gather [hbm4b:s7+s2], $0x80, v21, vm0, $0xb8;
	[tilespmem:$0x1D000] =	vst v63  }
0x15c: {  	v63 =	vperm.xlane v18, v9;
	v62 =	vadd.s32 v4, v61;
	s4 =	sld [smem:$0x7CD]  }
0x15d: {  	[tilespmem:s11], [sflag:$0x1] =	stream.indirect_vreg.gather [hbm4b:s7+s2], $0x80, v19, vm0, $0xb8;
	[tilespmem:$0x1D000] =	vst v63  }
0x15e: {  	v24 =	vperm.xlane v18, v1;
	s11 =	sld [smem:$0x7CE];
	v19 =	vadd.s32 v4, v63  }
0x15f: {  	[tilespmem:s4], [sflag:$0x1] =	stream.indirect_vreg.gather [hbm4b:s7+s2], $0x80, v60, vm0, $0xb8;
	[tilespmem:$0x1D000] =	vst v63  }
0x160: {  	v26 =	vperm.xlane v18, v10;
	v25 =	vadd.s32 v4, v24;
	s4 =	sld [smem:$0x7CF]  }
0x161: {  	[tilespmem:s11], [sflag:$0x1] =	stream.indirect_vreg.gather [hbm4b:s7+s2], $0x80, v62, vm0, $0xb8;
	[tilespmem:$0x1D000] =	vst v63  }
0x162: {  	v28 =	vperm.xlane v18, v11;
	v27 =	vadd.s32 v4, v26;
	s11 =	sld [smem:$0x7D0]  }
0x163: {  	[tilespmem:s4], [sflag:$0x1] =	stream.indirect_vreg.gather [hbm4b:s7+s2], $0x80, v19, vm0, $0xb8;
	[tilespmem:$0x1D000] =	vst v63  }
0x164: {  	v29 =	vperm.xlane v18, v12;
	s4 =	sld [smem:$0x7D1];
	v19 =	vadd.s32 v4, v28  }
0x165: {  	[tilespmem:s11], [sflag:$0x1] =	stream.indirect_vreg.gather [hbm4b:s7+s2], $0x80, v25, vm0, $0xb8;
	[tilespmem:$0x1D000] =	vst v63  }
0x166: {  	v31 =	vperm.xlane v18, v13;
	v30 =	vadd.s32 v4, v29;
	s11 =	sld [smem:$0x7D2]  }
0x167: {  	[tilespmem:s4], [sflag:$0x1] =	stream.indirect_vreg.gather [hbm4b:s7+s2], $0x80, v27, vm0, $0xb8;
	[tilespmem:$0x1D000] =	vst v63  }
0x168: {  	v33 =	vperm.xlane v18, v14;
	v32 =	vadd.s32 v4, v31;
	s4 =	sld [smem:$0x7D3]  }
0x169: {  	[tilespmem:s11], [sflag:$0x1] =	stream.indirect_vreg.gather [hbm4b:s7+s2], $0x80, v19, vm0, $0xb8;
	[tilespmem:$0x1D000] =	vst v63  }
0x16a: {  	v34 =	vperm.xlane v18, v15;
	s11 =	sld [smem:$0x7D4];
	v19 =	vadd.s32 v4, v33  }
0x16b: {  	[tilespmem:s4], [sflag:$0x1] =	stream.indirect_vreg.gather [hbm4b:s7+s2], $0x80, v30, vm0, $0xb8;
	[tilespmem:$0x1D000] =	vst v63  }
0x16c: {  	v36 =	vperm.xlane v18, v16;
	v35 =	vadd.s32 v4, v34;
	s4 =	sld [smem:$0x7D5]  }
0x16d: {  	[tilespmem:s11], [sflag:$0x1] =	stream.indirect_vreg.gather [hbm4b:s7+s2], $0x80, v32, vm0, $0xb8;
	[tilespmem:$0x1D000] =	vst v63  }
0x16e: {  	v18 =	vperm.xlane v18, v17;
	v37 =	vadd.s32 v4, v36;
	s11 =	sld [smem:$0x7D6]  }
0x16f: {  	[tilespmem:s4], [sflag:$0x1] =	stream.indirect_vreg.gather [hbm4b:s7+s2], $0x80, v19, vm0, $0xb8;
	[tilespmem:$0x1D000] =	vst v63  }
0x170: {  	v18 =	vadd.s32 v4, v18;
	s4 =	sld [smem:$0x7D7]  }
0x171: {  	[tilespmem:s11], [sflag:$0x1] =	stream.indirect_vreg.gather [hbm4b:s7+s2], $0x80, v35, vm0, $0xb8;
	[tilespmem:$0x1D000] =	vst v63  }
0x172: {  	s11 =	sld [smem:$0x7D8]  }
0x173: {  	[tilespmem:s4], [sflag:$0x1] =	stream.indirect_vreg.gather [hbm4b:s7+s2], $0x80, v37, vm0, $0xb8;
	[tilespmem:$0x1D000] =	vst v63  }
0x174: {  	_ = 	snop  }
0x175: {  	[tilespmem:s11], [sflag:$0x1] =	stream.indirect_vreg.gather [hbm4b:s7+s2], $0x80, v18, vm0, $0xb8;
	[tilespmem:$0x1D000] =	vst v63  }
0x176: {  	v18 =	vld [tilespmem:s13+$0x50];
	_ =	sdelay $0x4  }
0x177: {  	v19 =	vshll.u32 v18, $0x1  }
0x178: {  	v18 =	vand.u32 $0x7, v18;
	v19 =	vand.u32 $0xFFFFFFF0, v19  }
0x179: {  	v18 =	vor.u32 v18, v19  }
0x17a: {  	v19 =	vperm.xlane v18, v3;
	_ =	sdelay $0x1  }
0x17b: {  	v38 =	vperm.xlane v18, v2;
	v19 =	vadd.s32 v4, v19;
	_ =	sdelay $0x1  }
0x17c: {  	s4 =	sld [smem:$0x7D9];
	v39 =	vperm.xlane v18, v5;
	v20 =	vadd.s32 v4, v38;
	_ =	sdelay $0x1  }
0x17d: {  	s11 =	sld [smem:$0x7DA];
	v40 =	vperm.xlane v18, v6;
	v21 =	vadd.s32 v4, v39  }
0x17e: {  	[tilespmem:s4], [sflag:$0x1] =	stream.indirect_vreg.gather [hbm4b:s7+s2], $0x80, v19, vm0, $0xb8;
	[tilespmem:$0x1D000] =	vst v63  }
0x17f: {  	v41 =	vperm.xlane v18, v7;
	s4 =	sld [smem:$0x7DB];
	v19 =	vadd.s32 v4, v40  }
0x180: {  	[tilespmem:s11], [sflag:$0x1] =	stream.indirect_vreg.gather [hbm4b:s7+s2], $0x80, v20, vm0, $0xb8;
	[tilespmem:$0x1D000] =	vst v63  }
0x181: {  	v43 =	vperm.xlane v18, v8;
	v42 =	vadd.s32 v4, v41;
	s11 =	sld [smem:$0x7DC]  }
0x182: {  	[tilespmem:s4], [sflag:$0x1] =	stream.indirect_vreg.gather [hbm4b:s7+s2], $0x80, v21, vm0, $0xb8;
	[tilespmem:$0x1D000] =	vst v63  }
0x183: {  	v45 =	vperm.xlane v18, v9;
	v44 =	vadd.s32 v4, v43;
	s4 =	sld [smem:$0x7DD]  }
0x184: {  	[tilespmem:s11], [sflag:$0x1] =	stream.indirect_vreg.gather [hbm4b:s7+s2], $0x80, v19, vm0, $0xb8;
	[tilespmem:$0x1D000] =	vst v63  }
0x185: {  	v46 =	vperm.xlane v18, v1;
	s11 =	sld [smem:$0x7DE];
	v19 =	vadd.s32 v4, v45  }
0x186: {  	[tilespmem:s4], [sflag:$0x1] =	stream.indirect_vreg.gather [hbm4b:s7+s2], $0x80, v42, vm0, $0xb8;
	[tilespmem:$0x1D000] =	vst v63  }
0x187: {  	v48 =	vperm.xlane v18, v10;
	v47 =	vadd.s32 v4, v46;
	s4 =	sld [smem:$0x7DF]  }
0x188: {  	[tilespmem:s11], [sflag:$0x1] =	stream.indirect_vreg.gather [hbm4b:s7+s2], $0x80, v44, vm0, $0xb8;
	[tilespmem:$0x1D000] =	vst v63  }
0x189: {  	v50 =	vperm.xlane v18, v11;
	v49 =	vadd.s32 v4, v48;
	s11 =	sld [smem:$0x7E0]  }
0x18a: {  	[tilespmem:s4], [sflag:$0x1] =	stream.indirect_vreg.gather [hbm4b:s7+s2], $0x80, v19, vm0, $0xb8;
	[tilespmem:$0x1D000] =	vst v63  }
0x18b: {  	v51 =	vperm.xlane v18, v12;
	s4 =	sld [smem:$0x7E1];
	v19 =	vadd.s32 v4, v50  }
0x18c: {  	[tilespmem:s11], [sflag:$0x1] =	stream.indirect_vreg.gather [hbm4b:s7+s2], $0x80, v47, vm0, $0xb8;
	[tilespmem:$0x1D000] =	vst v63  }
0x18d: {  	v53 =	vperm.xlane v18, v13;
	v52 =	vadd.s32 v4, v51;
	s11 =	sld [smem:$0x7E2]  }
0x18e: {  	[tilespmem:s4], [sflag:$0x1] =	stream.indirect_vreg.gather [hbm4b:s7+s2], $0x80, v49, vm0, $0xb8;
	[tilespmem:$0x1D000] =	vst v63  }
0x18f: {  	v55 =	vperm.xlane v18, v14;
	v54 =	vadd.s32 v4, v53;
	s4 =	sld [smem:$0x7E3]  }
0x190: {  	[tilespmem:s11], [sflag:$0x1] =	stream.indirect_vreg.gather [hbm4b:s7+s2], $0x80, v19, vm0, $0xb8;
	[tilespmem:$0x1D000] =	vst v63  }
0x191: {  	v56 =	vperm.xlane v18, v15;
	s11 =	sld [smem:$0x7E4];
	v19 =	vadd.s32 v4, v55  }
0x192: {  	[tilespmem:s4], [sflag:$0x1] =	stream.indirect_vreg.gather [hbm4b:s7+s2], $0x80, v52, vm0, $0xb8;
	[tilespmem:$0x1D000] =	vst v63  }
0x193: {  	v58 =	vperm.xlane v18, v16;
	v57 =	vadd.s32 v4, v56;
	s4 =	sld [smem:$0x7E5]  }
0x194: {  	[tilespmem:s11], [sflag:$0x1] =	stream.indirect_vreg.gather [hbm4b:s7+s2], $0x80, v54, vm0, $0xb8;
	[tilespmem:$0x1D000] =	vst v63  }
0x195: {  	v18 =	vperm.xlane v18, v17;
	v59 =	vadd.s32 v4, v58;
	s11 =	sld [smem:$0x7E6]  }
0x196: {  	[tilespmem:s4], [sflag:$0x1] =	stream.indirect_vreg.gather [hbm4b:s7+s2], $0x80, v19, vm0, $0xb8;
	[tilespmem:$0x1D000] =	vst v63  }
0x197: {  	v18 =	vadd.s32 v4, v18;
	s4 =	sld [smem:$0x7E8]  }
0x198: {  	[tilespmem:s11], [sflag:$0x1] =	stream.indirect_vreg.gather [hbm4b:s7+s2], $0x80, v57, vm0, $0xb8;
	[tilespmem:$0x1D000] =	vst v63  }
0x199: {  	s11 =	sld [smem:$0x7EA]  }
0x19a: {  	[tilespmem:s4], [sflag:$0x1] =	stream.indirect_vreg.gather [hbm4b:s7+s2], $0x80, v59, vm0, $0xb8;
	[tilespmem:$0x1D000] =	vst v63  }
0x19b: {  	_ = 	snop  }
0x19c: {  	[tilespmem:s11], [sflag:$0x1] =	stream.indirect_vreg.gather [hbm4b:s7+s2], $0x80, v18, vm0, $0xb8;
	[tilespmem:$0x1D000] =	vst v63  }
0x19d: {  	v18 =	vld [tilespmem:s13+$0x60];
	_ =	sdelay $0x4  }
0x19e: {  	v19 =	vshll.u32 v18, $0x1  }
0x19f: {  	v18 =	vand.u32 $0x7, v18;
	v19 =	vand.u32 $0xFFFFFFF0, v19  }
0x1a0: {  	v18 =	vor.u32 v18, v19  }
0x1a1: {  	v19 =	vperm.xlane v18, v3;
	_ =	sdelay $0x1  }
0x1a2: {  	v60 =	vperm.xlane v18, v2;
	v19 =	vadd.s32 v4, v19;
	_ =	sdelay $0x1  }
0x1a3: {  	s4 =	sld [smem:$0x7EB];
	v61 =	vperm.xlane v18, v5;
	v20 =	vadd.s32 v4, v60;
	_ =	sdelay $0x1  }
0x1a4: {  	s11 =	sld [smem:$0x7EC];
	v62 =	vperm.xlane v18, v6;
	v21 =	vadd.s32 v4, v61  }
0x1a5: {  	[tilespmem:s4], [sflag:$0x1] =	stream.indirect_vreg.gather [hbm4b:s7+s2], $0x80, v19, vm0, $0xb8;
	[tilespmem:$0x1D000] =	vst v63  }
0x1a6: {  	v63 =	vperm.xlane v18, v7;
	s4 =	sld [smem:$0x7EE];
	v19 =	vadd.s32 v4, v62  }
0x1a7: {  	[tilespmem:s11], [sflag:$0x1] =	stream.indirect_vreg.gather [hbm4b:s7+s2], $0x80, v20, vm0, $0xb8;
	[tilespmem:$0x1D000] =	vst v63  }
0x1a8: {  	v25 =	vperm.xlane v18, v8;
	v24 =	vadd.s32 v4, v63;
	s11 =	sld [smem:$0x7F0]  }
0x1a9: {  	[tilespmem:s4], [sflag:$0x1] =	stream.indirect_vreg.gather [hbm4b:s7+s2], $0x80, v21, vm0, $0xb8;
	[tilespmem:$0x1D000] =	vst v63  }
0x1aa: {  	v27 =	vperm.xlane v18, v9;
	v26 =	vadd.s32 v4, v25;
	s4 =	sld [smem:$0x7F2]  }
0x1ab: {  	[tilespmem:s11], [sflag:$0x1] =	stream.indirect_vreg.gather [hbm4b:s7+s2], $0x80, v19, vm0, $0xb8;
	[tilespmem:$0x1D000] =	vst v63  }
0x1ac: {  	v28 =	vperm.xlane v18, v1;
	s11 =	sld [smem:$0x7F4];
	v19 =	vadd.s32 v4, v27  }
0x1ad: {  	[tilespmem:s4], [sflag:$0x1] =	stream.indirect_vreg.gather [hbm4b:s7+s2], $0x80, v24, vm0, $0xb8;
	[tilespmem:$0x1D000] =	vst v63  }
0x1ae: {  	v30 =	vperm.xlane v18, v10;
	v29 =	vadd.s32 v4, v28;
	s4 =	sld [smem:$0x7F6]  }
0x1af: {  	[tilespmem:s11], [sflag:$0x1] =	stream.indirect_vreg.gather [hbm4b:s7+s2], $0x80, v26, vm0, $0xb8;
	[tilespmem:$0x1D000] =	vst v63  }
0x1b0: {  	v32 =	vperm.xlane v18, v11;
	v31 =	vadd.s32 v4, v30;
	s11 =	sld [smem:$0x7F9]  }
0x1b1: {  	[tilespmem:s4], [sflag:$0x1] =	stream.indirect_vreg.gather [hbm4b:s7+s2], $0x80, v19, vm0, $0xb8;
	[tilespmem:$0x1D000] =	vst v63  }
0x1b2: {  	v33 =	vperm.xlane v18, v12;
	s4 =	sld [smem:$0x7FA];
	v19 =	vadd.s32 v4, v32  }
0x1b3: {  	[tilespmem:s11], [sflag:$0x1] =	stream.indirect_vreg.gather [hbm4b:s7+s2], $0x80, v29, vm0, $0xb8;
	[tilespmem:$0x1D000] =	vst v63  }
0x1b4: {  	v35 =	vperm.xlane v18, v13;
	v34 =	vadd.s32 v4, v33;
	s11 =	sld [smem:$0x7FB]  }
0x1b5: {  	[tilespmem:s4], [sflag:$0x1] =	stream.indirect_vreg.gather [hbm4b:s7+s2], $0x80, v31, vm0, $0xb8;
	[tilespmem:$0x1D000] =	vst v63  }
0x1b6: {  	v37 =	vperm.xlane v18, v14;
	v36 =	vadd.s32 v4, v35;
	s4 =	sld [smem:$0x7FC]  }
0x1b7: {  	[tilespmem:s11], [sflag:$0x1] =	stream.indirect_vreg.gather [hbm4b:s7+s2], $0x80, v19, vm0, $0xb8;
	[tilespmem:$0x1D000] =	vst v63  }
0x1b8: {  	v38 =	vperm.xlane v18, v15;
	s11 =	sld [smem:$0x7FD];
	v19 =	vadd.s32 v4, v37  }
0x1b9: {  	[tilespmem:s4], [sflag:$0x1] =	stream.indirect_vreg.gather [hbm4b:s7+s2], $0x80, v34, vm0, $0xb8;
	[tilespmem:$0x1D000] =	vst v63  }
0x1ba: {  	v40 =	vperm.xlane v18, v16;
	v39 =	vadd.s32 v4, v38  }
0x1bb: {  	[tilespmem:s11], [sflag:$0x1] =	stream.indirect_vreg.gather [hbm4b:s7+s2], $0x80, v36, vm0, $0xb8;
	[tilespmem:$0x1D000] =	vst v63  }
0x1bc: {  	v18 =	vperm.xlane v18, v17;
	v41 =	vadd.s32 v4, v40  }
0x1bd: {  	[tilespmem:s17], [sflag:$0x1] =	stream.indirect_vreg.gather [hbm4b:s7+s2], $0x80, v19, vm0, $0xb8;
	[tilespmem:$0x1D000] =	vst v63  }
0x1be: {  	v18 =	vadd.s32 v4, v18  }
0x1bf: {  	[tilespmem:s18], [sflag:$0x1] =	stream.indirect_vreg.gather [hbm4b:s7+s2], $0x80, v39, vm0, $0xb8;
	[tilespmem:$0x1D000] =	vst v63  }
0x1c0: {  	_ = 	snop  }
0x1c1: {  	[tilespmem:s19], [sflag:$0x1] =	stream.indirect_vreg.gather [hbm4b:s7+s2], $0x80, v41, vm0, $0xb8;
	[tilespmem:$0x1D000] =	vst v63  }
0x1c2: {  	_ = 	snop  }
0x1c3: {  	[tilespmem:s20], [sflag:$0x1] =	stream.indirect_vreg.gather [hbm4b:s7+s2], $0x80, v18, vm0, $0xb8;
	[tilespmem:$0x1D000] =	vst v63  }
0x1c4: {  	v18 =	vld [tilespmem:s13+$0x70];
	_ =	sdelay $0x4  }
0x1c5: {  	v19 =	vshll.u32 v18, $0x1  }
0x1c6: {  	v18 =	vand.u32 $0x7, v18;
	v19 =	vand.u32 $0xFFFFFFF0, v19  }
0x1c7: {  	v18 =	vor.u32 v18, v19  }
0x1c8: {  	v19 =	vperm.xlane v18, v3;
	_ =	sdelay $0x1  }
0x1c9: {  	v42 =	vperm.xlane v18, v2;
	v19 =	vadd.s32 v4, v19;
	_ =	sdelay $0x1  }
0x1ca: {  	v43 =	vperm.xlane v18, v5;
	v20 =	vadd.s32 v4, v42;
	_ =	sdelay $0x1  }
0x1cb: {  	v44 =	vperm.xlane v18, v6;
	v21 =	vadd.s32 v4, v43  }
0x1cc: {  	[tilespmem:s21], [sflag:$0x1] =	stream.indirect_vreg.gather [hbm4b:s7+s2], $0x80, v19, vm0, $0xb8;
	[tilespmem:$0x1D000] =	vst v63  }
0x1cd: {  	v45 =	vperm.xlane v18, v7;
	v19 =	vadd.s32 v4, v44  }
0x1ce: {  	[tilespmem:s22], [sflag:$0x1] =	stream.indirect_vreg.gather [hbm4b:s7+s2], $0x80, v20, vm0, $0xb8;
	[tilespmem:$0x1D000] =	vst v63  }
0x1cf: {  	v47 =	vperm.xlane v18, v8;
	v46 =	vadd.s32 v4, v45  }
0x1d0: {  	[tilespmem:s23], [sflag:$0x1] =	stream.indirect_vreg.gather [hbm4b:s7+s2], $0x80, v21, vm0, $0xb8;
	[tilespmem:$0x1D000] =	vst v63  }
0x1d1: {  	v49 =	vperm.xlane v18, v9;
	v48 =	vadd.s32 v4, v47  }
0x1d2: {  	[tilespmem:s24], [sflag:$0x1] =	stream.indirect_vreg.gather [hbm4b:s7+s2], $0x80, v19, vm0, $0xb8;
	[tilespmem:$0x1D000] =	vst v63  }
0x1d3: {  	v50 =	vperm.xlane v18, v1;
	v19 =	vadd.s32 v4, v49  }
0x1d4: {  	[tilespmem:s25], [sflag:$0x1] =	stream.indirect_vreg.gather [hbm4b:s7+s2], $0x80, v46, vm0, $0xb8;
	[tilespmem:$0x1D000] =	vst v63  }
0x1d5: {  	v52 =	vperm.xlane v18, v10;
	v51 =	vadd.s32 v4, v50  }
0x1d6: {  	[tilespmem:s26], [sflag:$0x1] =	stream.indirect_vreg.gather [hbm4b:s7+s2], $0x80, v48, vm0, $0xb8;
	[tilespmem:$0x1D000] =	vst v63  }
0x1d7: {  	v54 =	vperm.xlane v18, v11;
	v53 =	vadd.s32 v4, v52  }
0x1d8: {  	[tilespmem:s28], [sflag:$0x1] =	stream.indirect_vreg.gather [hbm4b:s7+s2], $0x80, v19, vm0, $0xb8;
	[tilespmem:$0x1D000] =	vst v63  }
0x1d9: {  	v55 =	vperm.xlane v18, v12;
	v19 =	vadd.s32 v4, v54  }
0x1da: {  	[tilespmem:s29], [sflag:$0x1] =	stream.indirect_vreg.gather [hbm4b:s7+s2], $0x80, v51, vm0, $0xb8;
	[tilespmem:$0x1D000] =	vst v63  }
0x1db: {  	v57 =	vperm.xlane v18, v13;
	v56 =	vadd.s32 v4, v55  }
0x1dc: {  	[tilespmem:s30], [sflag:$0x1] =	stream.indirect_vreg.gather [hbm4b:s7+s2], $0x80, v53, vm0, $0xb8;
	[tilespmem:$0x1D000] =	vst v63  }
0x1dd: {  	v59 =	vperm.xlane v18, v14;
	v58 =	vadd.s32 v4, v57  }
0x1de: {  	[tilespmem:s31], [sflag:$0x1] =	stream.indirect_vreg.gather [hbm4b:s7+s2], $0x80, v19, vm0, $0xb8;
	[tilespmem:$0x1D000] =	vst v63  }
0x1df: {  	v60 =	vperm.xlane v18, v15;
	v19 =	vadd.s32 v4, v59  }
0x1e0: {  	[tilespmem:s0], [sflag:$0x1] =	stream.indirect_vreg.gather [hbm4b:s7+s2], $0x80, v56, vm0, $0xb8;
	[tilespmem:$0x1D000] =	vst v63  }
0x1e1: {  	v62 =	vperm.xlane v18, v16;
	v61 =	vadd.s32 v4, v60  }
0x1e2: {  	[tilespmem:s3], [sflag:$0x1] =	stream.indirect_vreg.gather [hbm4b:s7+s2], $0x80, v58, vm0, $0xb8;
	[tilespmem:$0x1D000] =	vst v63  }
0x1e3: {  	v18 =	vperm.xlane v18, v17;
	v63 =	vadd.s32 v4, v62  }
0x1e4: {  	[tilespmem:s16], [sflag:$0x1] =	stream.indirect_vreg.gather [hbm4b:s7+s2], $0x80, v19, vm0, $0xb8;
	[tilespmem:$0x1D000] =	vst v63  }
0x1e5: {  	v18 =	vadd.s32 v4, v18  }
0x1e6: {  	[tilespmem:s5], [sflag:$0x1] =	stream.indirect_vreg.gather [hbm4b:s7+s2], $0x80, v61, vm0, $0xb8;
	[tilespmem:$0x1D000] =	vst v63  }
0x1e7: {  	_ = 	snop  }
0x1e8: {  	[tilespmem:s6], [sflag:$0x1] =	stream.indirect_vreg.gather [hbm4b:s7+s2], $0x80, v63, vm0, $0xb8;
	[tilespmem:$0x1D000] =	vst v63  }
0x1e9: {  	_ = 	snop  }
0x1ea: {  	[tilespmem:s8], [sflag:$0x1] =	stream.indirect_vreg.gather [hbm4b:s7+s2], $0x80, v18, vm0, $0xb8;
	[tilespmem:$0x1D000] =	vst v63  }
0x1eb: {  	_ =	swait.ge [sflag:s9], $0x4000  }
0x1ec: {  	p0 =	sne.s32 s12, $0x9C00;
	[sflag:s9] =	ssyncset.done $0x0  }
.Ltmp1:
0x1ed: {  	s13 =	sadd.s32 $0x2800, s13;
	[sflag:s9] =	ssyncadd.s32 $0xFFFFC000;
	(pc) =	sbr.rel @p0 .LBB2_4-.Ltmp1, $4  }
0x1ee: {  	[spmem:s1] =	stream.indirect.scatter.add.f32 [tilespmem:s14], [sflag:$0x2], $0x80, s13, s10, $0xb8;
	[tilespmem:$0x1D000] =	vst v63  }
0x1ef: {  	_ =	swait.ge [sflag:s15], $0x4000  }
0x1f0: {  	[sflag:s15] =	ssyncset.done $0x0  }
0x1f1: {  	s12 =	sadd.s32 $0x200, s12;
	[sflag:s15] =	ssyncadd.s32 $0xFFFFC000  }
0x1f2: {  	[bflag:$0x0] =	sbarrier.arrive $0xFFFF  }
0x1f3: {  	s11 =	sld [smem:$0x7F7]  }
0x1f4: {  	s4 =	stileid.u32;
	s12 =	sld [smem:$0x7ED]  }
0x1f5: {  	s4 =	sshll.u32 s4, $0x6  }
0x1f6: {  	s4 =	sor.u32 $0x1C02, s4;
	s11 =	sshrl.u32 s11, $0x3  }
0x1f7: {  	[hbm:s12], [sflag:s4] =	dma.local [spmem:s11], $0x2800  }
0x1f8: {  	_ =	swait.ge [sflag:s15], $0x2800  }
0x1f9: {  	s12 =	sld [smem:$0x7A5]  }
0x1fa: {  	s13 =	sld [smem:$0x7EF];
	_ =	sdelay $0x1  }
0x1fb: {  	s11 =	sadd.s32 $0x1, s12  }
0x1fc: {  	p0 =	sne.s32 s11, s13  }
.Ltmp2:
0x1fd: {  	_ = 	snop;
	(pc) =	sbr.rel @p0 .LBB2_1-.Ltmp2, $3  }
0x1fe: {  	_ =	sdelay $0x1  }
0x1ff: {  	[sflag:s15] =	ssyncset.done $0x0  }
0x200: {  	[sflag:s15] =	ssyncadd.s32 $0xFFFFD800  }
0x201: {  	_ =	sfence.sel $0x180000  }
0x202: {  	[bflag:$0x0] =	sbarrier.arrive $0xFFFF  }
0x203: {  	_ =	strace $0x90000047  }
0x204: {  	s0 =	stileid.u32;
	[bflag:$0x2] =	sbarrier.arrive $0xFFFF  }
0x205: {  	p0 =	sne.s32 s0, $0x0;
	s0 =	rddreg [dreg:$0x3]  }
0x206: {  	s0 =	sadd.s32 @!p0 $0x100000, s0  }
0x207: {  	[sflag:s0] =	ssyncadd.tile.s32 @!p0 $0x1;
	_ =	shalt  }
.Lfunc_end2:
_tile_overlayer_lowered:
.L_overlay_start_2:
0x208: {  	(tag) =	ssettag $0x2  }
0x209: {  	s0 =	rddreg [dreg:$0x0];
	s2 =	stileid.u32  }
0x20a: {  	s1 =	rddreg [dreg:$0x1];
	p0 =	sne.s32 s2, $0x0  }
0x20b: {  	s3 =	rddreg [dreg:$0x2];
	[bflag:$0x3] =	sbarrier.arrive $0xFFFF;
	s2 =	simm.s32 @!p0 $0x1C02  }
0x20c: {  	[timem:s3], [sflag:s2] =	dma.local @!p0 [hbm:s0], s1  }
0x20d: {  	s0 =	simm.s32 @!p0 $0x2  }
0x20e: {  	_ =	swait.ge @!p0 [sflag:s0], s1  }
0x20f: {  	s1 =	ssub.s32 @!p0 $0x0, s1;
	[sflag:s0] =	ssyncset.done @!p0 $0x0  }
0x210: {  	[sflag:s0] =	ssyncadd.s32 @!p0 s1  }
0x211: {  	[bflag:$0x3] =	sbarrier.arrive $0xFFFF  }
0x212: {  	_ =	shalt  }

</sc_bundles>
